<compile_context>
chip_gen: v7x
topology: tpu7x:2x2x1
jax: 0.10.2.dev20260603
libtpu: 0.0.44.dev20260713+nightly
codegen_flags: <defaults>
</compile_context>

<pallas_src>
import dataclasses

import jax
import jax.numpy as jnp
from jax import lax
from jax.experimental import pallas as pl
from jax.experimental.pallas import tpu as pltpu
from jax.experimental.pallas import tpu_sc as plsc

N = 10000
E = 320000
D = 128
NC = 2
NS = 16
NW = NC * NS
EPT = E // NW
K = 125
NCHUNK = EPT // K
NP = 10240
RPT = NP // NS

RB = 1000
GRID = N // RB

_f32 = jnp.float32
_mesh = plsc.VectorSubcoreMesh(core_axis_name="c", subcore_axis_name="s")

DEGW = 16
_notile = dataclasses.replace(pltpu.CompilerParams(),
                              use_tc_tiling_on_sc=False)



def _deg_body(dst3_hbm, zero_hbm, ones_hbm, out_hbm, dacc, didx_all, ones_v,
              ssem):
    c = lax.axis_index("c")
    s = lax.axis_index("s")
    wid = s * NC + c
    pltpu.sync_copy(dst3_hbm.at[wid], didx_all)
    pltpu.sync_copy(ones_hbm, ones_v)
    pltpu.sync_copy(zero_hbm, dacc.at[pl.ds(s * RPT, RPT)])
    plsc.subcore_barrier()

    @pl.loop(0, NCHUNK)
    def _(g):
        pltpu.async_copy(ones_v, dacc.at[didx_all.at[g]], ssem, add=True)

        @pl.when(g >= 4)
        def _():
            pltpu.make_async_copy(ones_v, dacc.at[didx_all.at[g - 4]],
                                  ssem).wait()

    @pl.loop(NCHUNK - 4, NCHUNK)
    def _(g):
        pltpu.make_async_copy(ones_v, dacc.at[didx_all.at[g]], ssem).wait()

    plsc.subcore_barrier()
    pltpu.sync_copy(dacc.at[pl.ds(s * RPT, RPT)],
                    out_hbm.at[c, pl.ds(s * RPT, RPT)])


def _edge_body(y_hbm, ei3_hbm, zero_hbm, out_hbm,
               acc, sd0, sd1, sd2, sd3, rows0, rows1,
               isem0, isem1, isem2, isem3, gsem0, gsem1):
    c = lax.axis_index("c")
    s = lax.axis_index("s")
    wid = s * NC + c
    pltpu.sync_copy(zero_hbm, acc.at[pl.ds(s * RPT, RPT)])
    pltpu.sync_copy(ei3_hbm.at[wid, 0], sd0)
    plsc.subcore_barrier()
    pltpu.async_copy(y_hbm.at[sd0.at[0]], rows0, gsem0)
    pltpu.async_copy(ei3_hbm.at[wid, 1], sd1, isem1)
    pltpu.async_copy(ei3_hbm.at[wid, 2], sd2, isem2)
    pltpu.async_copy(ei3_hbm.at[wid, 3], sd3, isem3)

    @pl.loop(0, NCHUNK // 4)
    def _(j):
        b = 4 * j

        pltpu.make_async_copy(ei3_hbm.at[wid, b + 1], sd1, isem1).wait()
        pltpu.async_copy(y_hbm.at[sd1.at[0]], rows1, gsem1)

        pltpu.make_async_copy(y_hbm.at[sd0.at[0]], rows0, gsem0).wait()
        pltpu.sync_copy(rows0, acc.at[sd0.at[1]], add=True)

        @pl.when(b + 4 < NCHUNK)
        def _():
            pltpu.async_copy(ei3_hbm.at[wid, b + 4], sd0, isem0)

        pltpu.make_async_copy(ei3_hbm.at[wid, b + 2], sd2, isem2).wait()
        pltpu.async_copy(y_hbm.at[sd2.at[0]], rows0, gsem0)

        pltpu.make_async_copy(y_hbm.at[sd1.at[0]], rows1, gsem1).wait()
        pltpu.sync_copy(rows1, acc.at[sd1.at[1]], add=True)

        @pl.when(b + 5 < NCHUNK)
        def _():
            pltpu.async_copy(ei3_hbm.at[wid, b + 5], sd1, isem1)

        pltpu.make_async_copy(ei3_hbm.at[wid, b + 3], sd3, isem3).wait()
        pltpu.async_copy(y_hbm.at[sd3.at[0]], rows1, gsem1)

        pltpu.make_async_copy(y_hbm.at[sd2.at[0]], rows0, gsem0).wait()
        pltpu.sync_copy(rows0, acc.at[sd2.at[1]], add=True)

        @pl.when(b + 6 < NCHUNK)
        def _():
            pltpu.async_copy(ei3_hbm.at[wid, b + 6], sd2, isem2)

        @pl.when(b + 4 < NCHUNK)
        def _():
            pltpu.make_async_copy(ei3_hbm.at[wid, b + 4], sd0, isem0).wait()
            pltpu.async_copy(y_hbm.at[sd0.at[0]], rows0, gsem0)

        pltpu.make_async_copy(y_hbm.at[sd3.at[0]], rows1, gsem1).wait()
        pltpu.sync_copy(rows1, acc.at[sd3.at[1]], add=True)

        @pl.when(b + 7 < NCHUNK)
        def _():
            pltpu.async_copy(ei3_hbm.at[wid, b + 7], sd3, isem3)

    plsc.subcore_barrier()
    pltpu.sync_copy(acc.at[pl.ds(s * RPT, RPT)],
                    out_hbm.at[c, pl.ds(s * RPT, RPT)])


def _make_deg_kernel(interpret=False):
    return pl.kernel(
        _deg_body,
        out_type=jax.ShapeDtypeStruct((NC, NP, DEGW), _f32),
        mesh=_mesh,
        scratch_types=[
            pltpu.VMEM_SHARED((NP, DEGW), _f32),
            pltpu.VMEM((NCHUNK, K), jnp.int32),
            pltpu.VMEM((K, DEGW), _f32),
            pltpu.SemaphoreType.DMA,
        ],
        compiler_params=_notile,
        interpret=interpret,
    )


def _make_edge_kernel(interpret=False):
    return pl.kernel(
        _edge_body,
        out_type=jax.ShapeDtypeStruct((NC, NP, D), _f32),
        mesh=_mesh,
        scratch_types=[
            pltpu.VMEM_SHARED((NP, D), _f32),
            pltpu.VMEM((2, K), jnp.int32),
            pltpu.VMEM((2, K), jnp.int32),
            pltpu.VMEM((2, K), jnp.int32),
            pltpu.VMEM((2, K), jnp.int32),
            pltpu.VMEM((K, D), _f32),
            pltpu.VMEM((K, D), _f32),
            pltpu.SemaphoreType.DMA,
            pltpu.SemaphoreType.DMA,
            pltpu.SemaphoreType.DMA,
            pltpu.SemaphoreType.DMA,
            pltpu.SemaphoreType.DMA,
            pltpu.SemaphoreType.DMA,
        ],
        interpret=interpret,
    )


_deg_kernel = _make_deg_kernel()
_edge_kernel = _make_edge_kernel()



def _dot(a, b):
    return jax.lax.dot_general(a, b, (((1,), (0,)), ((), ())),
                               preferred_element_type=_f32)


def _scale_body(x_ref, we_ref, be_ref, w_ref, d0_ref, d1_ref, y_ref, dinv_ref):
    deg = d0_ref[0, :, 0:1] + d1_ref[0, :, 0:1] + 1.0
    dinv = jax.lax.rsqrt(deg)
    dinv_ref[...] = dinv
    h = jnp.maximum(_dot(x_ref[...], we_ref[...]) + be_ref[...], 0.0)
    y_ref[...] = _dot(h, w_ref[...]) * dinv


def _mid_body(a0_ref, a1_ref, y_ref, dinv_ref, b_ref, w_ref, o_ref):
    dinv = dinv_ref[...]
    h = jnp.maximum((a0_ref[0] + a1_ref[0] + y_ref[...]) * dinv
                    + b_ref[...], 0.0)
    o_ref[...] = _dot(h, w_ref[...]) * dinv


def _fin_body(a0_ref, a1_ref, y_ref, dinv_ref, b_ref, o_ref):
    o_ref[...] = jnp.maximum(
        (a0_ref[0] + a1_ref[0] + y_ref[...]) * dinv_ref[...]
        + b_ref[...], 0.0)


def _row_spec(w):
    return pl.BlockSpec((RB, w), lambda i: (i, 0))


def _part_spec(core, w=D):
    return pl.BlockSpec((1, RB, w), lambda i: (core, i, 0))


def _full_spec(h, w):
    return pl.BlockSpec((h, w), lambda i: (0, 0))


def _scale(x, We, be, W, parts):
    return pl.pallas_call(
        _scale_body, grid=(GRID,),
        in_specs=[_row_spec(D), _full_spec(D, D), _full_spec(1, D),
                  _full_spec(D, D), _part_spec(0, DEGW), _part_spec(1, DEGW)],
        out_specs=(_row_spec(D), _row_spec(1)),
        out_shape=(jax.ShapeDtypeStruct((N, D), _f32),
                   jax.ShapeDtypeStruct((N, 1), _f32)),
    )(x, We, be, W, parts, parts)


def _mid(e, y, dinv, b, W):
    return pl.pallas_call(
        _mid_body, grid=(GRID,),
        in_specs=[_part_spec(0), _part_spec(1), _row_spec(D), _row_spec(1),
                  _full_spec(1, D), _full_spec(D, D)],
        out_specs=_row_spec(D),
        out_shape=jax.ShapeDtypeStruct((N, D), _f32),
    )(e, e, y, dinv, b, W)


def _fin(e, y, dinv, b):
    return pl.pallas_call(
        _fin_body, grid=(GRID,),
        in_specs=[_part_spec(0), _part_spec(1), _row_spec(D), _row_spec(1),
                  _full_spec(1, D)],
        out_specs=_row_spec(D),
        out_shape=jax.ShapeDtypeStruct((N, D), _f32),
    )(e, e, y, dinv, b)



def kernel(x, edge_index, W_enc, b_enc, W1, b1, W2, b2):
    src = edge_index[0].astype(jnp.int32)
    dst = edge_index[1].astype(jnp.int32)
    src3 = src.reshape(NW, NCHUNK, K)
    dst3 = dst.reshape(NW, NCHUNK, K)
    ei3 = jnp.stack([src3, dst3], axis=2)
    zD = jnp.zeros((RPT, D), _f32)
    z16 = jnp.zeros((RPT, DEGW), _f32)
    o16 = jnp.ones((K, DEGW), _f32)

    deg_parts = _deg_kernel(dst3, z16, o16)
    y1, dinv = _scale(x, W_enc, b_enc.reshape(1, D), W1, deg_parts)

    e1 = _edge_kernel(y1, ei3, zD)
    y2 = _mid(e1, y1, dinv, b1.reshape(1, D), W2)

    e2 = _edge_kernel(y2, ei3, zD)
    out = _fin(e2, y2, dinv, b2.reshape(1, D))
    return out

# --- scband reference (transcript-rebuilt; emitter-appended) ---
"""Pipeline reference for scband-contact-gnn-74912819576988 (READ-ONLY COPY).

The authoritative reference and input builder live on the scoring server;
editing this copy changes nothing except your own understanding.
"""

import jax, jax.numpy as jnp
import numpy as np

N_NODES = 10000
N_EDGES = 320000
D = 128

def _gcn_layer(x, src, dst, W, b, N):
    # GCNConv with add_self_loops=True, symmetric normalization, bias
    xw = x @ W
    loop = jnp.arange(N, dtype=src.dtype)
    src_f = jnp.concatenate([src, loop])
    dst_f = jnp.concatenate([dst, loop])
    deg = jax.ops.segment_sum(jnp.ones_like(src_f, dtype=xw.dtype), dst_f, num_segments=N)
    dinv = jnp.where(deg > 0, 1.0 / jnp.sqrt(deg), 0.0)
    norm = dinv[src_f] * dinv[dst_f]
    msgs = xw[src_f] * norm[:, None]
    out = jax.ops.segment_sum(msgs, dst_f, num_segments=N)
    return out + b


def setup_inputs(seed: int = 0) -> dict:
    key = jax.random.key(seed)
    ks = jax.random.split(key, 9)
    x = jax.random.normal(ks[0], (N_NODES, D), dtype=jnp.float32)
    edge_index = jax.random.randint(ks[1], (2, N_EDGES), 0, N_NODES, dtype=jnp.int64)
    s = 1.0 / np.sqrt(D)
    W_enc = jax.random.normal(ks[2], (D, D), dtype=jnp.float32) * s
    b_enc = jnp.zeros((D,), dtype=jnp.float32)
    W1 = jax.random.normal(ks[3], (D, D), dtype=jnp.float32) * s
    b1 = jnp.zeros((D,), dtype=jnp.float32)
    W2 = jax.random.normal(ks[4], (D, D), dtype=jnp.float32) * s
    b2 = jnp.zeros((D,), dtype=jnp.float32)
    return {"x": x, "edge_index": edge_index, "W_enc": W_enc, "b_enc": b_enc,
            "W1": W1, "b1": b1, "W2": W2, "b2": b2}


def reference(x, edge_index, W_enc, b_enc, W1, b1, W2, b2):
    N = x.shape[0]
    src = edge_index[0]
    dst = edge_index[1]
    # node encoder: Linear + act(relu)
    h = jax.nn.relu(x @ W_enc + b_enc)
    # trunk: 2 GCNConv layers; act after first, inner_act after last (both relu)
    h = _gcn_layer(h, src, dst, W1, b1, N)
    h = jax.nn.relu(h)
    h = _gcn_layer(h, src, dst, W2, b2, N)
    h = jax.nn.relu(h)
    # head_architecture_L / head_architecture_D are None -> return latent node embeddings
    return h

if __name__ == "__main__":
    import jax
    _d = setup_inputs()
    print(jax.jit(kernel)(*tuple(_d.values())))

</pallas_src>

<mosaic_0001>
#map = affine_map<(d0, d1) -> (0, 0, 0)>
#map1 = affine_map<(d0, d1) -> (0, 0)>
module attributes {stable_mosaic.version = 14 : i64} {
  func.func @_deg_body(%arg0: i32, %arg1: i32, %arg2: memref<32x80x125xi32, #tpu.memory_space<hbm>>, %arg3: memref<640x16xf32, #tpu.memory_space<hbm>>, %arg4: memref<125x16xf32, #tpu.memory_space<hbm>>, %arg5: memref<2x10240x16xf32, #tpu.memory_space<hbm>>, %arg6: memref<10240x16xf32, #tpu.memory_space<vmem_shared>>, %arg7: memref<80x125xi32, #tpu.memory_space<vmem>>, %arg8: memref<125x16xf32, #tpu.memory_space<vmem>>, %arg9: memref<!tpu.dma_semaphore, #tpu.memory_space<semaphore_mem>>) attributes {dimension_semantics = [#tpu.dimension_semantics<core_parallel>, #tpu.dimension_semantics<subcore_parallel>], iteration_bounds = array<i64: 2, 16>, scalar_prefetch = 0 : i64, scratch_operands = 4 : i64, tpu.core_type = #tpu.core_type<sc_vector_subcore>, window_params = [{transform_indices = #map}, {transform_indices = #map1}, {transform_indices = #map1}, {transform_indices = #map}]} {
    %mul3A = arith.constant 2 : i32
    %mul3A_0 = arith.muli %arg1, %mul3A : i32
    %add3A = arith.addi %mul3A_0, %arg0 : i32
    "tpu.region"() ({
      %run_scoped3A = tpu.sem_alloc : memref<!tpu.dma_semaphore, #tpu.memory_space<semaphore_mem>>
      %dma_start3A = arith.constant 0 : i32
      %dma_start3A_17 = arith.constant 0 : i32
      %dma_start3A_18 = tpu.memref_slice %arg2[%add3A, %dma_start3A, %dma_start3A_17] : memref<32x80x125xi32, #tpu.memory_space<hbm>> -> memref<1x80x125xi32, #tpu.memory_space<hbm>>
      %dma_start3A_19 = tpu.memref_squeeze %dma_start3A_18 : memref<1x80x125xi32, #tpu.memory_space<hbm>> -> memref<80x125xi32, #tpu.memory_space<hbm>>
      %dma_start3A_20 = arith.constant 0 : i32
      %dma_start3A_21 = arith.constant 0 : i32
      %dma_start3A_22 = tpu.memref_slice %arg2[%add3A, %dma_start3A_20, %dma_start3A_21] : memref<32x80x125xi32, #tpu.memory_space<hbm>> -> memref<1x80x125xi32, #tpu.memory_space<hbm>>
      %dma_start3A_23 = tpu.memref_squeeze %dma_start3A_22 : memref<1x80x125xi32, #tpu.memory_space<hbm>> -> memref<80x125xi32, #tpu.memory_space<hbm>>
      tpu.enqueue_dma source(%dma_start3A_23 : memref<80x125xi32, #tpu.memory_space<hbm>>) target(%arg7 : memref<80x125xi32, #tpu.memory_space<vmem>>) target_semaphore(%run_scoped3A : memref<!tpu.dma_semaphore, #tpu.memory_space<semaphore_mem>>)
      %dma_wait3A = arith.constant 0 : i32
      %dma_wait3A_24 = arith.constant 0 : i32
      %dma_wait3A_25 = tpu.memref_slice %arg2[%add3A, %dma_wait3A, %dma_wait3A_24] : memref<32x80x125xi32, #tpu.memory_space<hbm>> -> memref<1x80x125xi32, #tpu.memory_space<hbm>>
      %dma_wait3A_26 = tpu.memref_squeeze %dma_wait3A_25 : memref<1x80x125xi32, #tpu.memory_space<hbm>> -> memref<80x125xi32, #tpu.memory_space<hbm>>
      %dma_wait3A_27 = arith.constant 0 : i32
      %dma_wait3A_28 = arith.constant 0 : i32
      %dma_wait3A_29 = tpu.memref_slice %arg2[%add3A, %dma_wait3A_27, %dma_wait3A_28] : memref<32x80x125xi32, #tpu.memory_space<hbm>> -> memref<1x80x125xi32, #tpu.memory_space<hbm>>
      %dma_wait3A_30 = tpu.memref_squeeze %dma_wait3A_29 : memref<1x80x125xi32, #tpu.memory_space<hbm>> -> memref<80x125xi32, #tpu.memory_space<hbm>>
      tpu.wait_dma2 semaphore(%run_scoped3A : memref<!tpu.dma_semaphore, #tpu.memory_space<semaphore_mem>>) src(%dma_wait3A_30 : memref<80x125xi32, #tpu.memory_space<hbm>>) dst(%arg7 : memref<80x125xi32, #tpu.memory_space<vmem>>)
      tpu.yield
    }) : () -> ()
    "tpu.region"() ({
      %run_scoped3A = tpu.sem_alloc : memref<!tpu.dma_semaphore, #tpu.memory_space<semaphore_mem>>
      tpu.enqueue_dma source(%arg4 : memref<125x16xf32, #tpu.memory_space<hbm>>) target(%arg8 : memref<125x16xf32, #tpu.memory_space<vmem>>) target_semaphore(%run_scoped3A : memref<!tpu.dma_semaphore, #tpu.memory_space<semaphore_mem>>)
      tpu.wait_dma2 semaphore(%run_scoped3A : memref<!tpu.dma_semaphore, #tpu.memory_space<semaphore_mem>>) src(%arg4 : memref<125x16xf32, #tpu.memory_space<hbm>>) dst(%arg8 : memref<125x16xf32, #tpu.memory_space<vmem>>)
      tpu.yield
    }) : () -> ()
    %mul3A_1 = arith.constant 640 : i32
    %mul3A_2 = arith.muli %arg1, %mul3A_1 : i32
    "tpu.region"() ({
      %run_scoped3A = tpu.sem_alloc : memref<!tpu.dma_semaphore, #tpu.memory_space<semaphore_mem>>
      %dma_start3A = arith.constant 0 : i32
      %dma_start3A_17 = tpu.memref_slice %arg6[%mul3A_2, %dma_start3A] : memref<10240x16xf32, #tpu.memory_space<vmem_shared>> -> memref<640x16xf32, #tpu.memory_space<vmem_shared>>
      tpu.enqueue_dma source(%arg3 : memref<640x16xf32, #tpu.memory_space<hbm>>) target(%dma_start3A_17 : memref<640x16xf32, #tpu.memory_space<vmem_shared>>) target_semaphore(%run_scoped3A : memref<!tpu.dma_semaphore, #tpu.memory_space<semaphore_mem>>)
      %dma_wait3A = arith.constant 0 : i32
      %dma_wait3A_18 = tpu.memref_slice %arg6[%mul3A_2, %dma_wait3A] : memref<10240x16xf32, #tpu.memory_space<vmem_shared>> -> memref<640x16xf32, #tpu.memory_space<vmem_shared>>
      tpu.wait_dma2 semaphore(%run_scoped3A : memref<!tpu.dma_semaphore, #tpu.memory_space<semaphore_mem>>) src(%arg3 : memref<640x16xf32, #tpu.memory_space<hbm>>) dst(%dma_wait3A_18 : memref<640x16xf32, #tpu.memory_space<vmem_shared>>)
      tpu.yield
    }) : () -> ()
    %barrier3A = arith.constant 0 : index
    tpu.barrier barrier_id(%barrier3A)
    %scan3A = arith.constant 0 : i32
    %scan3A_3 = arith.constant 80 : i32
    %scan3A_4 = arith.addi %scan3A, %scan3A_3 : i32
    %scan3A_5 = arith.constant 1 : i32
    scf.for %scan3A_17 = %scan3A to %scan3A_4 step %scan3A_5  : i32 {
      %mul3A_18 = arith.constant 1 : i32
      %mul3A_19 = arith.muli %scan3A_17, %mul3A_18 : i32
      %add3A_20 = arith.constant 0 : i32
      %add3A_21 = arith.addi %add3A_20, %mul3A_19 : i32
      %dma_start3A = arith.constant 0 : i32
      %dma_start3A_22 = tpu.memref_slice %arg7[%add3A_21, %dma_start3A] : memref<80x125xi32, #tpu.memory_space<vmem>> -> memref<1x125xi32, #tpu.memory_space<vmem>>
      %dma_start3A_23 = tpu.memref_squeeze %dma_start3A_22 : memref<1x125xi32, #tpu.memory_space<vmem>> -> memref<125xi32, #tpu.memory_space<vmem>>
      %dma_start3A_24 = arith.constant 0 : i32
      %dma_start3A_25 = arith.constant 0 : i32
      %dma_start3A_26 = tpu.memref_slice %arg6[%dma_start3A_24, %dma_start3A_25] : memref<10240x16xf32, #tpu.memory_space<vmem_shared>> -> memref<10240x16xf32, #tpu.memory_space<vmem_shared>>
      tpu.enqueue_indirect_dma source(%arg8 : memref<125x16xf32, #tpu.memory_space<vmem>>) target(%dma_start3A_26 : memref<10240x16xf32, #tpu.memory_space<vmem_shared>>) offsets(%dma_start3A_23 : memref<125xi32, #tpu.memory_space<vmem>>) semaphore(%arg9 : memref<!tpu.dma_semaphore, #tpu.memory_space<semaphore_mem>>) {add = true}
      %ge3A = arith.constant 4 : i32
      %ge3A_27 = arith.cmpi sge, %add3A_21, %ge3A : i32
      %convert_element_type3A = arith.extui %ge3A_27 : i1 to i32
      %cond3A = arith.constant 0 : i32
      %cond3A_28 = arith.cmpi ne, %convert_element_type3A, %cond3A : i32
      scf.if %cond3A_28 {
        %sub3A = arith.constant 4 : i32
        %sub3A_29 = arith.subi %add3A_21, %sub3A : i32
        %dma_wait3A = arith.constant 0 : i32
        %dma_wait3A_30 = tpu.memref_slice %arg7[%sub3A_29, %dma_wait3A] : memref<80x125xi32, #tpu.memory_space<vmem>> -> memref<1x125xi32, #tpu.memory_space<vmem>>
        %dma_wait3A_31 = tpu.memref_squeeze %dma_wait3A_30 : memref<1x125xi32, #tpu.memory_space<vmem>> -> memref<125xi32, #tpu.memory_space<vmem>>
        %dma_wait3A_32 = arith.constant 0 : i32
        %dma_wait3A_33 = arith.constant 0 : i32
        %dma_wait3A_34 = tpu.memref_slice %arg6[%dma_wait3A_32, %dma_wait3A_33] : memref<10240x16xf32, #tpu.memory_space<vmem_shared>> -> memref<10240x16xf32, #tpu.memory_space<vmem_shared>>
        tpu.wait_indirect_dma semaphore(%arg9 : memref<!tpu.dma_semaphore, #tpu.memory_space<semaphore_mem>>) src(%arg8 : memref<125x16xf32, #tpu.memory_space<vmem>>) dst(%dma_wait3A_34 : memref<10240x16xf32, #tpu.memory_space<vmem_shared>>)
      } else {
      }
    }
    %scan3A_6 = arith.constant 80 : i32
    %scan3A_7 = arith.constant 0 : i32
    %scan3A_8 = arith.constant 4 : i32
    %scan3A_9 = arith.addi %scan3A_7, %scan3A_8 : i32
    %scan3A_10 = arith.constant 1 : i32
    scf.for %scan3A_17 = %scan3A_7 to %scan3A_9 step %scan3A_10  : i32 {
      %mul3A_18 = arith.constant 1 : i32
      %mul3A_19 = arith.muli %scan3A_17, %mul3A_18 : i32
      %add3A_20 = arith.constant 76 : i32
      %add3A_21 = arith.addi %add3A_20, %mul3A_19 : i32
      %dma_wait3A = arith.constant 0 : i32
      %dma_wait3A_22 = tpu.memref_slice %arg7[%add3A_21, %dma_wait3A] : memref<80x125xi32, #tpu.memory_space<vmem>> -> memref<1x125xi32, #tpu.memory_space<vmem>>
      %dma_wait3A_23 = tpu.memref_squeeze %dma_wait3A_22 : memref<1x125xi32, #tpu.memory_space<vmem>> -> memref<125xi32, #tpu.memory_space<vmem>>
      %dma_wait3A_24 = arith.constant 0 : i32
      %dma_wait3A_25 = arith.constant 0 : i32
      %dma_wait3A_26 = tpu.memref_slice %arg6[%dma_wait3A_24, %dma_wait3A_25] : memref<10240x16xf32, #tpu.memory_space<vmem_shared>> -> memref<10240x16xf32, #tpu.memory_space<vmem_shared>>
      tpu.wait_indirect_dma semaphore(%arg9 : memref<!tpu.dma_semaphore, #tpu.memory_space<semaphore_mem>>) src(%arg8 : memref<125x16xf32, #tpu.memory_space<vmem>>) dst(%dma_wait3A_26 : memref<10240x16xf32, #tpu.memory_space<vmem_shared>>)
    }
    %scan3A_11 = arith.constant 4 : i32
    %barrier3A_12 = arith.constant 0 : index
    tpu.barrier barrier_id(%barrier3A_12)
    %mul3A_13 = arith.constant 640 : i32
    %mul3A_14 = arith.muli %arg1, %mul3A_13 : i32
    %mul3A_15 = arith.constant 640 : i32
    %mul3A_16 = arith.muli %arg1, %mul3A_15 : i32
    "tpu.region"() ({
      %run_scoped3A = tpu.sem_alloc : memref<!tpu.dma_semaphore, #tpu.memory_space<semaphore_mem>>
      %dma_start3A = arith.constant 0 : i32
      %dma_start3A_17 = tpu.memref_slice %arg5[%arg0, %mul3A_16, %dma_start3A] : memref<2x10240x16xf32, #tpu.memory_space<hbm>> -> memref<1x640x16xf32, #tpu.memory_space<hbm>>
      %dma_start3A_18 = tpu.memref_squeeze %dma_start3A_17 : memref<1x640x16xf32, #tpu.memory_space<hbm>> -> memref<640x16xf32, #tpu.memory_space<hbm>>
      %dma_start3A_19 = arith.constant 0 : i32
      %dma_start3A_20 = tpu.memref_slice %arg6[%mul3A_14, %dma_start3A_19] : memref<10240x16xf32, #tpu.memory_space<vmem_shared>> -> memref<640x16xf32, #tpu.memory_space<vmem_shared>>
      tpu.enqueue_dma source(%dma_start3A_20 : memref<640x16xf32, #tpu.memory_space<vmem_shared>>) target(%dma_start3A_18 : memref<640x16xf32, #tpu.memory_space<hbm>>) target_semaphore(%run_scoped3A : memref<!tpu.dma_semaphore, #tpu.memory_space<semaphore_mem>>)
      %dma_wait3A = arith.constant 0 : i32
      %dma_wait3A_21 = tpu.memref_slice %arg5[%arg0, %mul3A_16, %dma_wait3A] : memref<2x10240x16xf32, #tpu.memory_space<hbm>> -> memref<1x640x16xf32, #tpu.memory_space<hbm>>
      %dma_wait3A_22 = tpu.memref_squeeze %dma_wait3A_21 : memref<1x640x16xf32, #tpu.memory_space<hbm>> -> memref<640x16xf32, #tpu.memory_space<hbm>>
      %dma_wait3A_23 = arith.constant 0 : i32
      %dma_wait3A_24 = tpu.memref_slice %arg6[%mul3A_14, %dma_wait3A_23] : memref<10240x16xf32, #tpu.memory_space<vmem_shared>> -> memref<640x16xf32, #tpu.memory_space<vmem_shared>>
      tpu.wait_dma2 semaphore(%run_scoped3A : memref<!tpu.dma_semaphore, #tpu.memory_space<semaphore_mem>>) src(%dma_wait3A_24 : memref<640x16xf32, #tpu.memory_space<vmem_shared>>) dst(%dma_wait3A_22 : memref<640x16xf32, #tpu.memory_space<hbm>>)
      tpu.yield
    }) : () -> ()
    return
  }
}

#map = affine_map<(d0, d1) -> (0, 0)>
#map1 = affine_map<(d0, d1) -> (0, 0, 0, 0)>
#map2 = affine_map<(d0, d1) -> (0, 0, 0)>
module attributes {stable_mosaic.version = 14 : i64} {
  func.func @_edge_body(%arg0: i32, %arg1: i32, %arg2: memref<10000x128xf32, #tpu.memory_space<hbm>>, %arg3: memref<32x80x2x125xi32, #tpu.memory_space<hbm>>, %arg4: memref<640x128xf32, #tpu.memory_space<hbm>>, %arg5: memref<2x10240x128xf32, #tpu.memory_space<hbm>>, %arg6: memref<10240x128xf32, #tpu.memory_space<vmem_shared>>, %arg7: memref<2x125xi32, #tpu.memory_space<vmem>>, %arg8: memref<2x125xi32, #tpu.memory_space<vmem>>, %arg9: memref<2x125xi32, #tpu.memory_space<vmem>>, %arg10: memref<2x125xi32, #tpu.memory_space<vmem>>, %arg11: memref<125x128xf32, #tpu.memory_space<vmem>>, %arg12: memref<125x128xf32, #tpu.memory_space<vmem>>, %arg13: memref<!tpu.dma_semaphore, #tpu.memory_space<semaphore_mem>>, %arg14: memref<!tpu.dma_semaphore, #tpu.memory_space<semaphore_mem>>, %arg15: memref<!tpu.dma_semaphore, #tpu.memory_space<semaphore_mem>>, %arg16: memref<!tpu.dma_semaphore, #tpu.memory_space<semaphore_mem>>, %arg17: memref<!tpu.dma_semaphore, #tpu.memory_space<semaphore_mem>>, %arg18: memref<!tpu.dma_semaphore, #tpu.memory_space<semaphore_mem>>) attributes {dimension_semantics = [#tpu.dimension_semantics<core_parallel>, #tpu.dimension_semantics<subcore_parallel>], iteration_bounds = array<i64: 2, 16>, scalar_prefetch = 0 : i64, scratch_operands = 13 : i64, tpu.core_type = #tpu.core_type<sc_vector_subcore>, window_params = [{transform_indices = #map}, {transform_indices = #map1}, {transform_indices = #map}, {transform_indices = #map2}]} {
    %mul3A = arith.constant 2 : i32
    %mul3A_0 = arith.muli %arg1, %mul3A : i32
    %add3A = arith.addi %mul3A_0, %arg0 : i32
    %mul3A_1 = arith.constant 640 : i32
    %mul3A_2 = arith.muli %arg1, %mul3A_1 : i32
    "tpu.region"() ({
      %run_scoped3A_45 = tpu.sem_alloc : memref<!tpu.dma_semaphore, #tpu.memory_space<semaphore_mem>>
      %dma_start3A_46 = arith.constant 0 : i32
      %dma_start3A_47 = tpu.memref_slice %arg6[%mul3A_2, %dma_start3A_46] : memref<10240x128xf32, #tpu.memory_space<vmem_shared>> -> memref<640x128xf32, #tpu.memory_space<vmem_shared>>
      tpu.enqueue_dma source(%arg4 : memref<640x128xf32, #tpu.memory_space<hbm>>) target(%dma_start3A_47 : memref<640x128xf32, #tpu.memory_space<vmem_shared>>) target_semaphore(%run_scoped3A_45 : memref<!tpu.dma_semaphore, #tpu.memory_space<semaphore_mem>>)
      %dma_wait3A = arith.constant 0 : i32
      %dma_wait3A_48 = tpu.memref_slice %arg6[%mul3A_2, %dma_wait3A] : memref<10240x128xf32, #tpu.memory_space<vmem_shared>> -> memref<640x128xf32, #tpu.memory_space<vmem_shared>>
      tpu.wait_dma2 semaphore(%run_scoped3A_45 : memref<!tpu.dma_semaphore, #tpu.memory_space<semaphore_mem>>) src(%arg4 : memref<640x128xf32, #tpu.memory_space<hbm>>) dst(%dma_wait3A_48 : memref<640x128xf32, #tpu.memory_space<vmem_shared>>)
      tpu.yield
    }) : () -> ()
    %run_scoped3A = arith.constant 0 : i32
    "tpu.region"() ({
      %run_scoped3A_45 = tpu.sem_alloc : memref<!tpu.dma_semaphore, #tpu.memory_space<semaphore_mem>>
      %dma_start3A_46 = arith.constant 0 : i32
      %dma_start3A_47 = arith.constant 0 : i32
      %dma_start3A_48 = tpu.memref_slice %arg3[%add3A, %run_scoped3A, %dma_start3A_46, %dma_start3A_47] : memref<32x80x2x125xi32, #tpu.memory_space<hbm>> -> memref<1x1x2x125xi32, #tpu.memory_space<hbm>>
      %dma_start3A_49 = tpu.memref_squeeze %dma_start3A_48 : memref<1x1x2x125xi32, #tpu.memory_space<hbm>> -> memref<2x125xi32, #tpu.memory_space<hbm>>
      %dma_start3A_50 = arith.constant 0 : i32
      %dma_start3A_51 = arith.constant 0 : i32
      %dma_start3A_52 = tpu.memref_slice %arg3[%add3A, %run_scoped3A, %dma_start3A_50, %dma_start3A_51] : memref<32x80x2x125xi32, #tpu.memory_space<hbm>> -> memref<1x1x2x125xi32, #tpu.memory_space<hbm>>
      %dma_start3A_53 = tpu.memref_squeeze %dma_start3A_52 : memref<1x1x2x125xi32, #tpu.memory_space<hbm>> -> memref<2x125xi32, #tpu.memory_space<hbm>>
      tpu.enqueue_dma source(%dma_start3A_53 : memref<2x125xi32, #tpu.memory_space<hbm>>) target(%arg7 : memref<2x125xi32, #tpu.memory_space<vmem>>) target_semaphore(%run_scoped3A_45 : memref<!tpu.dma_semaphore, #tpu.memory_space<semaphore_mem>>)
      %dma_wait3A = arith.constant 0 : i32
      %dma_wait3A_54 = arith.constant 0 : i32
      %dma_wait3A_55 = tpu.memref_slice %arg3[%add3A, %run_scoped3A, %dma_wait3A, %dma_wait3A_54] : memref<32x80x2x125xi32, #tpu.memory_space<hbm>> -> memref<1x1x2x125xi32, #tpu.memory_space<hbm>>
      %dma_wait3A_56 = tpu.memref_squeeze %dma_wait3A_55 : memref<1x1x2x125xi32, #tpu.memory_space<hbm>> -> memref<2x125xi32, #tpu.memory_space<hbm>>
      %dma_wait3A_57 = arith.constant 0 : i32
      %dma_wait3A_58 = arith.constant 0 : i32
      %dma_wait3A_59 = tpu.memref_slice %arg3[%add3A, %run_scoped3A, %dma_wait3A_57, %dma_wait3A_58] : memref<32x80x2x125xi32, #tpu.memory_space<hbm>> -> memref<1x1x2x125xi32, #tpu.memory_space<hbm>>
      %dma_wait3A_60 = tpu.memref_squeeze %dma_wait3A_59 : memref<1x1x2x125xi32, #tpu.memory_space<hbm>> -> memref<2x125xi32, #tpu.memory_space<hbm>>
      tpu.wait_dma2 semaphore(%run_scoped3A_45 : memref<!tpu.dma_semaphore, #tpu.memory_space<semaphore_mem>>) src(%dma_wait3A_60 : memref<2x125xi32, #tpu.memory_space<hbm>>) dst(%arg7 : memref<2x125xi32, #tpu.memory_space<vmem>>)
      tpu.yield
    }) : () -> ()
    %barrier3A = arith.constant 0 : index
    tpu.barrier barrier_id(%barrier3A)
    %dma_start3A = arith.constant 0 : i32
    %dma_start3A_3 = arith.constant 0 : i32
    %dma_start3A_4 = tpu.memref_slice %arg7[%dma_start3A, %dma_start3A_3] : memref<2x125xi32, #tpu.memory_space<vmem>> -> memref<1x125xi32, #tpu.memory_space<vmem>>
    %dma_start3A_5 = tpu.memref_squeeze %dma_start3A_4 : memref<1x125xi32, #tpu.memory_space<vmem>> -> memref<125xi32, #tpu.memory_space<vmem>>
    %dma_start3A_6 = arith.constant 0 : i32
    %dma_start3A_7 = arith.constant 0 : i32
    %dma_start3A_8 = tpu.memref_slice %arg2[%dma_start3A_6, %dma_start3A_7] : memref<10000x128xf32, #tpu.memory_space<hbm>> -> memref<10000x128xf32, #tpu.memory_space<hbm>>
    tpu.enqueue_indirect_dma source(%dma_start3A_8 : memref<10000x128xf32, #tpu.memory_space<hbm>>) target(%arg11 : memref<125x128xf32, #tpu.memory_space<vmem>>) offsets(%dma_start3A_5 : memref<125xi32, #tpu.memory_space<vmem>>) semaphore(%arg17 : memref<!tpu.dma_semaphore, #tpu.memory_space<semaphore_mem>>)
    %dma_start3A_9 = arith.constant 1 : i32
    %dma_start3A_10 = arith.constant 0 : i32
    %dma_start3A_11 = arith.constant 0 : i32
    %dma_start3A_12 = tpu.memref_slice %arg3[%add3A, %dma_start3A_9, %dma_start3A_10, %dma_start3A_11] : memref<32x80x2x125xi32, #tpu.memory_space<hbm>> -> memref<1x1x2x125xi32, #tpu.memory_space<hbm>>
    %dma_start3A_13 = tpu.memref_squeeze %dma_start3A_12 : memref<1x1x2x125xi32, #tpu.memory_space<hbm>> -> memref<2x125xi32, #tpu.memory_space<hbm>>
    %dma_start3A_14 = arith.constant 0 : i32
    %dma_start3A_15 = arith.constant 0 : i32
    %dma_start3A_16 = tpu.memref_slice %arg3[%add3A, %dma_start3A_9, %dma_start3A_14, %dma_start3A_15] : memref<32x80x2x125xi32, #tpu.memory_space<hbm>> -> memref<1x1x2x125xi32, #tpu.memory_space<hbm>>
    %dma_start3A_17 = tpu.memref_squeeze %dma_start3A_16 : memref<1x1x2x125xi32, #tpu.memory_space<hbm>> -> memref<2x125xi32, #tpu.memory_space<hbm>>
    tpu.enqueue_dma source(%dma_start3A_17 : memref<2x125xi32, #tpu.memory_space<hbm>>) target(%arg8 : memref<2x125xi32, #tpu.memory_space<vmem>>) target_semaphore(%arg14 : memref<!tpu.dma_semaphore, #tpu.memory_space<semaphore_mem>>)
    %dma_start3A_18 = arith.constant 2 : i32
    %dma_start3A_19 = arith.constant 0 : i32
    %dma_start3A_20 = arith.constant 0 : i32
    %dma_start3A_21 = tpu.memref_slice %arg3[%add3A, %dma_start3A_18, %dma_start3A_19, %dma_start3A_20] : memref<32x80x2x125xi32, #tpu.memory_space<hbm>> -> memref<1x1x2x125xi32, #tpu.memory_space<hbm>>
    %dma_start3A_22 = tpu.memref_squeeze %dma_start3A_21 : memref<1x1x2x125xi32, #tpu.memory_space<hbm>> -> memref<2x125xi32, #tpu.memory_space<hbm>>
    %dma_start3A_23 = arith.constant 0 : i32
    %dma_start3A_24 = arith.constant 0 : i32
    %dma_start3A_25 = tpu.memref_slice %arg3[%add3A, %dma_start3A_18, %dma_start3A_23, %dma_start3A_24] : memref<32x80x2x125xi32, #tpu.memory_space<hbm>> -> memref<1x1x2x125xi32, #tpu.memory_space<hbm>>
    %dma_start3A_26 = tpu.memref_squeeze %dma_start3A_25 : memref<1x1x2x125xi32, #tpu.memory_space<hbm>> -> memref<2x125xi32, #tpu.memory_space<hbm>>
    tpu.enqueue_dma source(%dma_start3A_26 : memref<2x125xi32, #tpu.memory_space<hbm>>) target(%arg9 : memref<2x125xi32, #tpu.memory_space<vmem>>) target_semaphore(%arg15 : memref<!tpu.dma_semaphore, #tpu.memory_space<semaphore_mem>>)
    %dma_start3A_27 = arith.constant 3 : i32
    %dma_start3A_28 = arith.constant 0 : i32
    %dma_start3A_29 = arith.constant 0 : i32
    %dma_start3A_30 = tpu.memref_slice %arg3[%add3A, %dma_start3A_27, %dma_start3A_28, %dma_start3A_29] : memref<32x80x2x125xi32, #tpu.memory_space<hbm>> -> memref<1x1x2x125xi32, #tpu.memory_space<hbm>>
    %dma_start3A_31 = tpu.memref_squeeze %dma_start3A_30 : memref<1x1x2x125xi32, #tpu.memory_space<hbm>> -> memref<2x125xi32, #tpu.memory_space<hbm>>
    %dma_start3A_32 = arith.constant 0 : i32
    %dma_start3A_33 = arith.constant 0 : i32
    %dma_start3A_34 = tpu.memref_slice %arg3[%add3A, %dma_start3A_27, %dma_start3A_32, %dma_start3A_33] : memref<32x80x2x125xi32, #tpu.memory_space<hbm>> -> memref<1x1x2x125xi32, #tpu.memory_space<hbm>>
    %dma_start3A_35 = tpu.memref_squeeze %dma_start3A_34 : memref<1x1x2x125xi32, #tpu.memory_space<hbm>> -> memref<2x125xi32, #tpu.memory_space<hbm>>
    tpu.enqueue_dma source(%dma_start3A_35 : memref<2x125xi32, #tpu.memory_space<hbm>>) target(%arg10 : memref<2x125xi32, #tpu.memory_space<vmem>>) target_semaphore(%arg16 : memref<!tpu.dma_semaphore, #tpu.memory_space<semaphore_mem>>)
    %scan3A = arith.constant 0 : i32
    %scan3A_36 = arith.constant 20 : i32
    %scan3A_37 = arith.addi %scan3A, %scan3A_36 : i32
    %scan3A_38 = arith.constant 1 : i32
    scf.for %scan3A_45 = %scan3A to %scan3A_37 step %scan3A_38  : i32 {
      %mul3A_46 = arith.constant 1 : i32
      %mul3A_47 = arith.muli %scan3A_45, %mul3A_46 : i32
      %add3A_48 = arith.constant 0 : i32
      %add3A_49 = arith.addi %add3A_48, %mul3A_47 : i32
      %mul3A_50 = arith.constant 4 : i32
      %mul3A_51 = arith.muli %mul3A_50, %add3A_49 : i32
      %add3A_52 = arith.constant 1 : i32
      %add3A_53 = arith.addi %mul3A_51, %add3A_52 : i32
      %dma_wait3A = arith.constant 0 : i32
      %dma_wait3A_54 = arith.constant 0 : i32
      %dma_wait3A_55 = tpu.memref_slice %arg3[%add3A, %add3A_53, %dma_wait3A, %dma_wait3A_54] : memref<32x80x2x125xi32, #tpu.memory_space<hbm>> -> memref<1x1x2x125xi32, #tpu.memory_space<hbm>>
      %dma_wait3A_56 = tpu.memref_squeeze %dma_wait3A_55 : memref<1x1x2x125xi32, #tpu.memory_space<hbm>> -> memref<2x125xi32, #tpu.memory_space<hbm>>
      %dma_wait3A_57 = arith.constant 0 : i32
      %dma_wait3A_58 = arith.constant 0 : i32
      %dma_wait3A_59 = tpu.memref_slice %arg3[%add3A, %add3A_53, %dma_wait3A_57, %dma_wait3A_58] : memref<32x80x2x125xi32, #tpu.memory_space<hbm>> -> memref<1x1x2x125xi32, #tpu.memory_space<hbm>>
      %dma_wait3A_60 = tpu.memref_squeeze %dma_wait3A_59 : memref<1x1x2x125xi32, #tpu.memory_space<hbm>> -> memref<2x125xi32, #tpu.memory_space<hbm>>
      tpu.wait_dma2 semaphore(%arg14 : memref<!tpu.dma_semaphore, #tpu.memory_space<semaphore_mem>>) src(%dma_wait3A_60 : memref<2x125xi32, #tpu.memory_space<hbm>>) dst(%arg8 : memref<2x125xi32, #tpu.memory_space<vmem>>)
      %dma_start3A_61 = arith.constant 0 : i32
      %dma_start3A_62 = arith.constant 0 : i32
      %dma_start3A_63 = tpu.memref_slice %arg8[%dma_start3A_61, %dma_start3A_62] : memref<2x125xi32, #tpu.memory_space<vmem>> -> memref<1x125xi32, #tpu.memory_space<vmem>>
      %dma_start3A_64 = tpu.memref_squeeze %dma_start3A_63 : memref<1x125xi32, #tpu.memory_space<vmem>> -> memref<125xi32, #tpu.memory_space<vmem>>
      %dma_start3A_65 = arith.constant 0 : i32
      %dma_start3A_66 = arith.constant 0 : i32
      %dma_start3A_67 = tpu.memref_slice %arg2[%dma_start3A_65, %dma_start3A_66] : memref<10000x128xf32, #tpu.memory_space<hbm>> -> memref<10000x128xf32, #tpu.memory_space<hbm>>
      tpu.enqueue_indirect_dma source(%dma_start3A_67 : memref<10000x128xf32, #tpu.memory_space<hbm>>) target(%arg12 : memref<125x128xf32, #tpu.memory_space<vmem>>) offsets(%dma_start3A_64 : memref<125xi32, #tpu.memory_space<vmem>>) semaphore(%arg18 : memref<!tpu.dma_semaphore, #tpu.memory_space<semaphore_mem>>)
      %dma_wait3A_68 = arith.constant 0 : i32
      %dma_wait3A_69 = arith.constant 0 : i32
      %dma_wait3A_70 = tpu.memref_slice %arg7[%dma_wait3A_68, %dma_wait3A_69] : memref<2x125xi32, #tpu.memory_space<vmem>> -> memref<1x125xi32, #tpu.memory_space<vmem>>
      %dma_wait3A_71 = tpu.memref_squeeze %dma_wait3A_70 : memref<1x125xi32, #tpu.memory_space<vmem>> -> memref<125xi32, #tpu.memory_space<vmem>>
      %dma_wait3A_72 = arith.constant 0 : i32
      %dma_wait3A_73 = arith.constant 0 : i32
      %dma_wait3A_74 = tpu.memref_slice %arg2[%dma_wait3A_72, %dma_wait3A_73] : memref<10000x128xf32, #tpu.memory_space<hbm>> -> memref<10000x128xf32, #tpu.memory_space<hbm>>
      tpu.wait_indirect_dma semaphore(%arg17 : memref<!tpu.dma_semaphore, #tpu.memory_space<semaphore_mem>>) src(%dma_wait3A_74 : memref<10000x128xf32, #tpu.memory_space<hbm>>) dst(%arg11 : memref<125x128xf32, #tpu.memory_space<vmem>>)
      %run_scoped3A_75 = arith.constant 1 : i32
      "tpu.region"() ({
        %run_scoped3A_166 = tpu.sem_alloc : memref<!tpu.dma_semaphore, #tpu.memory_space<semaphore_mem>>
        %dma_start3A_167 = arith.constant 0 : i32
        %dma_start3A_168 = tpu.memref_slice %arg7[%run_scoped3A_75, %dma_start3A_167] : memref<2x125xi32, #tpu.memory_space<vmem>> -> memref<1x125xi32, #tpu.memory_space<vmem>>
        %dma_start3A_169 = tpu.memref_squeeze %dma_start3A_168 : memref<1x125xi32, #tpu.memory_space<vmem>> -> memref<125xi32, #tpu.memory_space<vmem>>
        %dma_start3A_170 = arith.constant 0 : i32
        %dma_start3A_171 = arith.constant 0 : i32
        %dma_start3A_172 = tpu.memref_slice %arg6[%dma_start3A_170, %dma_start3A_171] : memref<10240x128xf32, #tpu.memory_space<vmem_shared>> -> memref<10240x128xf32, #tpu.memory_space<vmem_shared>>
        tpu.enqueue_indirect_dma source(%arg11 : memref<125x128xf32, #tpu.memory_space<vmem>>) target(%dma_start3A_172 : memref<10240x128xf32, #tpu.memory_space<vmem_shared>>) offsets(%dma_start3A_169 : memref<125xi32, #tpu.memory_space<vmem>>) semaphore(%run_scoped3A_166 : memref<!tpu.dma_semaphore, #tpu.memory_space<semaphore_mem>>) {add = true}
        %dma_wait3A_173 = arith.constant 0 : i32
        %dma_wait3A_174 = tpu.memref_slice %arg7[%run_scoped3A_75, %dma_wait3A_173] : memref<2x125xi32, #tpu.memory_space<vmem>> -> memref<1x125xi32, #tpu.memory_space<vmem>>
        %dma_wait3A_175 = tpu.memref_squeeze %dma_wait3A_174 : memref<1x125xi32, #tpu.memory_space<vmem>> -> memref<125xi32, #tpu.memory_space<vmem>>
        %dma_wait3A_176 = arith.constant 0 : i32
        %dma_wait3A_177 = arith.constant 0 : i32
        %dma_wait3A_178 = tpu.memref_slice %arg6[%dma_wait3A_176, %dma_wait3A_177] : memref<10240x128xf32, #tpu.memory_space<vmem_shared>> -> memref<10240x128xf32, #tpu.memory_space<vmem_shared>>
        tpu.wait_indirect_dma semaphore(%run_scoped3A_166 : memref<!tpu.dma_semaphore, #tpu.memory_space<semaphore_mem>>) src(%arg11 : memref<125x128xf32, #tpu.memory_space<vmem>>) dst(%dma_wait3A_178 : memref<10240x128xf32, #tpu.memory_space<vmem_shared>>)
        tpu.yield
      }) : () -> ()
      %add3A_76 = arith.constant 4 : i32
      %add3A_77 = arith.addi %mul3A_51, %add3A_76 : i32
      %lt3A = arith.constant 80 : i32
      %lt3A_78 = arith.cmpi slt, %add3A_77, %lt3A : i32
      %convert_element_type3A = arith.extui %lt3A_78 : i1 to i32
      %cond3A = arith.constant 0 : i32
      %cond3A_79 = arith.cmpi ne, %convert_element_type3A, %cond3A : i32
      scf.if %cond3A_79 {
        %add3A_166 = arith.constant 4 : i32
        %add3A_167 = arith.addi %mul3A_51, %add3A_166 : i32
        %dma_start3A_168 = arith.constant 0 : i32
        %dma_start3A_169 = arith.constant 0 : i32
        %dma_start3A_170 = tpu.memref_slice %arg3[%add3A, %add3A_167, %dma_start3A_168, %dma_start3A_169] : memref<32x80x2x125xi32, #tpu.memory_space<hbm>> -> memref<1x1x2x125xi32, #tpu.memory_space<hbm>>
        %dma_start3A_171 = tpu.memref_squeeze %dma_start3A_170 : memref<1x1x2x125xi32, #tpu.memory_space<hbm>> -> memref<2x125xi32, #tpu.memory_space<hbm>>
        %dma_start3A_172 = arith.constant 0 : i32
        %dma_start3A_173 = arith.constant 0 : i32
        %dma_start3A_174 = tpu.memref_slice %arg3[%add3A, %add3A_167, %dma_start3A_172, %dma_start3A_173] : memref<32x80x2x125xi32, #tpu.memory_space<hbm>> -> memref<1x1x2x125xi32, #tpu.memory_space<hbm>>
        %dma_start3A_175 = tpu.memref_squeeze %dma_start3A_174 : memref<1x1x2x125xi32, #tpu.memory_space<hbm>> -> memref<2x125xi32, #tpu.memory_space<hbm>>
        tpu.enqueue_dma source(%dma_start3A_175 : memref<2x125xi32, #tpu.memory_space<hbm>>) target(%arg7 : memref<2x125xi32, #tpu.memory_space<vmem>>) target_semaphore(%arg13 : memref<!tpu.dma_semaphore, #tpu.memory_space<semaphore_mem>>)
      } else {
      }
      %add3A_80 = arith.constant 2 : i32
      %add3A_81 = arith.addi %mul3A_51, %add3A_80 : i32
      %dma_wait3A_82 = arith.constant 0 : i32
      %dma_wait3A_83 = arith.constant 0 : i32
      %dma_wait3A_84 = tpu.memref_slice %arg3[%add3A, %add3A_81, %dma_wait3A_82, %dma_wait3A_83] : memref<32x80x2x125xi32, #tpu.memory_space<hbm>> -> memref<1x1x2x125xi32, #tpu.memory_space<hbm>>
      %dma_wait3A_85 = tpu.memref_squeeze %dma_wait3A_84 : memref<1x1x2x125xi32, #tpu.memory_space<hbm>> -> memref<2x125xi32, #tpu.memory_space<hbm>>
      %dma_wait3A_86 = arith.constant 0 : i32
      %dma_wait3A_87 = arith.constant 0 : i32
      %dma_wait3A_88 = tpu.memref_slice %arg3[%add3A, %add3A_81, %dma_wait3A_86, %dma_wait3A_87] : memref<32x80x2x125xi32, #tpu.memory_space<hbm>> -> memref<1x1x2x125xi32, #tpu.memory_space<hbm>>
      %dma_wait3A_89 = tpu.memref_squeeze %dma_wait3A_88 : memref<1x1x2x125xi32, #tpu.memory_space<hbm>> -> memref<2x125xi32, #tpu.memory_space<hbm>>
      tpu.wait_dma2 semaphore(%arg15 : memref<!tpu.dma_semaphore, #tpu.memory_space<semaphore_mem>>) src(%dma_wait3A_89 : memref<2x125xi32, #tpu.memory_space<hbm>>) dst(%arg9 : memref<2x125xi32, #tpu.memory_space<vmem>>)
      %dma_start3A_90 = arith.constant 0 : i32
      %dma_start3A_91 = arith.constant 0 : i32
      %dma_start3A_92 = tpu.memref_slice %arg9[%dma_start3A_90, %dma_start3A_91] : memref<2x125xi32, #tpu.memory_space<vmem>> -> memref<1x125xi32, #tpu.memory_space<vmem>>
      %dma_start3A_93 = tpu.memref_squeeze %dma_start3A_92 : memref<1x125xi32, #tpu.memory_space<vmem>> -> memref<125xi32, #tpu.memory_space<vmem>>
      %dma_start3A_94 = arith.constant 0 : i32
      %dma_start3A_95 = arith.constant 0 : i32
      %dma_start3A_96 = tpu.memref_slice %arg2[%dma_start3A_94, %dma_start3A_95] : memref<10000x128xf32, #tpu.memory_space<hbm>> -> memref<10000x128xf32, #tpu.memory_space<hbm>>
      tpu.enqueue_indirect_dma source(%dma_start3A_96 : memref<10000x128xf32, #tpu.memory_space<hbm>>) target(%arg11 : memref<125x128xf32, #tpu.memory_space<vmem>>) offsets(%dma_start3A_93 : memref<125xi32, #tpu.memory_space<vmem>>) semaphore(%arg17 : memref<!tpu.dma_semaphore, #tpu.memory_space<semaphore_mem>>)
      %dma_wait3A_97 = arith.constant 0 : i32
      %dma_wait3A_98 = arith.constant 0 : i32
      %dma_wait3A_99 = tpu.memref_slice %arg8[%dma_wait3A_97, %dma_wait3A_98] : memref<2x125xi32, #tpu.memory_space<vmem>> -> memref<1x125xi32, #tpu.memory_space<vmem>>
      %dma_wait3A_100 = tpu.memref_squeeze %dma_wait3A_99 : memref<1x125xi32, #tpu.memory_space<vmem>> -> memref<125xi32, #tpu.memory_space<vmem>>
      %dma_wait3A_101 = arith.constant 0 : i32
      %dma_wait3A_102 = arith.constant 0 : i32
      %dma_wait3A_103 = tpu.memref_slice %arg2[%dma_wait3A_101, %dma_wait3A_102] : memref<10000x128xf32, #tpu.memory_space<hbm>> -> memref<10000x128xf32, #tpu.memory_space<hbm>>
      tpu.wait_indirect_dma semaphore(%arg18 : memref<!tpu.dma_semaphore, #tpu.memory_space<semaphore_mem>>) src(%dma_wait3A_103 : memref<10000x128xf32, #tpu.memory_space<hbm>>) dst(%arg12 : memref<125x128xf32, #tpu.memory_space<vmem>>)
      %run_scoped3A_104 = arith.constant 1 : i32
      "tpu.region"() ({
        %run_scoped3A_166 = tpu.sem_alloc : memref<!tpu.dma_semaphore, #tpu.memory_space<semaphore_mem>>
        %dma_start3A_167 = arith.constant 0 : i32
        %dma_start3A_168 = tpu.memref_slice %arg8[%run_scoped3A_104, %dma_start3A_167] : memref<2x125xi32, #tpu.memory_space<vmem>> -> memref<1x125xi32, #tpu.memory_space<vmem>>
        %dma_start3A_169 = tpu.memref_squeeze %dma_start3A_168 : memref<1x125xi32, #tpu.memory_space<vmem>> -> memref<125xi32, #tpu.memory_space<vmem>>
        %dma_start3A_170 = arith.constant 0 : i32
        %dma_start3A_171 = arith.constant 0 : i32
        %dma_start3A_172 = tpu.memref_slice %arg6[%dma_start3A_170, %dma_start3A_171] : memref<10240x128xf32, #tpu.memory_space<vmem_shared>> -> memref<10240x128xf32, #tpu.memory_space<vmem_shared>>
        tpu.enqueue_indirect_dma source(%arg12 : memref<125x128xf32, #tpu.memory_space<vmem>>) target(%dma_start3A_172 : memref<10240x128xf32, #tpu.memory_space<vmem_shared>>) offsets(%dma_start3A_169 : memref<125xi32, #tpu.memory_space<vmem>>) semaphore(%run_scoped3A_166 : memref<!tpu.dma_semaphore, #tpu.memory_space<semaphore_mem>>) {add = true}
        %dma_wait3A_173 = arith.constant 0 : i32
        %dma_wait3A_174 = tpu.memref_slice %arg8[%run_scoped3A_104, %dma_wait3A_173] : memref<2x125xi32, #tpu.memory_space<vmem>> -> memref<1x125xi32, #tpu.memory_space<vmem>>
        %dma_wait3A_175 = tpu.memref_squeeze %dma_wait3A_174 : memref<1x125xi32, #tpu.memory_space<vmem>> -> memref<125xi32, #tpu.memory_space<vmem>>
        %dma_wait3A_176 = arith.constant 0 : i32
        %dma_wait3A_177 = arith.constant 0 : i32
        %dma_wait3A_178 = tpu.memref_slice %arg6[%dma_wait3A_176, %dma_wait3A_177] : memref<10240x128xf32, #tpu.memory_space<vmem_shared>> -> memref<10240x128xf32, #tpu.memory_space<vmem_shared>>
        tpu.wait_indirect_dma semaphore(%run_scoped3A_166 : memref<!tpu.dma_semaphore, #tpu.memory_space<semaphore_mem>>) src(%arg12 : memref<125x128xf32, #tpu.memory_space<vmem>>) dst(%dma_wait3A_178 : memref<10240x128xf32, #tpu.memory_space<vmem_shared>>)
        tpu.yield
      }) : () -> ()
      %add3A_105 = arith.constant 5 : i32
      %add3A_106 = arith.addi %mul3A_51, %add3A_105 : i32
      %lt3A_107 = arith.constant 80 : i32
      %lt3A_108 = arith.cmpi slt, %add3A_106, %lt3A_107 : i32
      %convert_element_type3A_109 = arith.extui %lt3A_108 : i1 to i32
      %cond3A_110 = arith.constant 0 : i32
      %cond3A_111 = arith.cmpi ne, %convert_element_type3A_109, %cond3A_110 : i32
      scf.if %cond3A_111 {
        %add3A_166 = arith.constant 5 : i32
        %add3A_167 = arith.addi %mul3A_51, %add3A_166 : i32
        %dma_start3A_168 = arith.constant 0 : i32
        %dma_start3A_169 = arith.constant 0 : i32
        %dma_start3A_170 = tpu.memref_slice %arg3[%add3A, %add3A_167, %dma_start3A_168, %dma_start3A_169] : memref<32x80x2x125xi32, #tpu.memory_space<hbm>> -> memref<1x1x2x125xi32, #tpu.memory_space<hbm>>
        %dma_start3A_171 = tpu.memref_squeeze %dma_start3A_170 : memref<1x1x2x125xi32, #tpu.memory_space<hbm>> -> memref<2x125xi32, #tpu.memory_space<hbm>>
        %dma_start3A_172 = arith.constant 0 : i32
        %dma_start3A_173 = arith.constant 0 : i32
        %dma_start3A_174 = tpu.memref_slice %arg3[%add3A, %add3A_167, %dma_start3A_172, %dma_start3A_173] : memref<32x80x2x125xi32, #tpu.memory_space<hbm>> -> memref<1x1x2x125xi32, #tpu.memory_space<hbm>>
        %dma_start3A_175 = tpu.memref_squeeze %dma_start3A_174 : memref<1x1x2x125xi32, #tpu.memory_space<hbm>> -> memref<2x125xi32, #tpu.memory_space<hbm>>
        tpu.enqueue_dma source(%dma_start3A_175 : memref<2x125xi32, #tpu.memory_space<hbm>>) target(%arg8 : memref<2x125xi32, #tpu.memory_space<vmem>>) target_semaphore(%arg14 : memref<!tpu.dma_semaphore, #tpu.memory_space<semaphore_mem>>)
      } else {
      }
      %add3A_112 = arith.constant 3 : i32
      %add3A_113 = arith.addi %mul3A_51, %add3A_112 : i32
      %dma_wait3A_114 = arith.constant 0 : i32
      %dma_wait3A_115 = arith.constant 0 : i32
      %dma_wait3A_116 = tpu.memref_slice %arg3[%add3A, %add3A_113, %dma_wait3A_114, %dma_wait3A_115] : memref<32x80x2x125xi32, #tpu.memory_space<hbm>> -> memref<1x1x2x125xi32, #tpu.memory_space<hbm>>
      %dma_wait3A_117 = tpu.memref_squeeze %dma_wait3A_116 : memref<1x1x2x125xi32, #tpu.memory_space<hbm>> -> memref<2x125xi32, #tpu.memory_space<hbm>>
      %dma_wait3A_118 = arith.constant 0 : i32
      %dma_wait3A_119 = arith.constant 0 : i32
      %dma_wait3A_120 = tpu.memref_slice %arg3[%add3A, %add3A_113, %dma_wait3A_118, %dma_wait3A_119] : memref<32x80x2x125xi32, #tpu.memory_space<hbm>> -> memref<1x1x2x125xi32, #tpu.memory_space<hbm>>
      %dma_wait3A_121 = tpu.memref_squeeze %dma_wait3A_120 : memref<1x1x2x125xi32, #tpu.memory_space<hbm>> -> memref<2x125xi32, #tpu.memory_space<hbm>>
      tpu.wait_dma2 semaphore(%arg16 : memref<!tpu.dma_semaphore, #tpu.memory_space<semaphore_mem>>) src(%dma_wait3A_121 : memref<2x125xi32, #tpu.memory_space<hbm>>) dst(%arg10 : memref<2x125xi32, #tpu.memory_space<vmem>>)
      %dma_start3A_122 = arith.constant 0 : i32
      %dma_start3A_123 = arith.constant 0 : i32
      %dma_start3A_124 = tpu.memref_slice %arg10[%dma_start3A_122, %dma_start3A_123] : memref<2x125xi32, #tpu.memory_space<vmem>> -> memref<1x125xi32, #tpu.memory_space<vmem>>
      %dma_start3A_125 = tpu.memref_squeeze %dma_start3A_124 : memref<1x125xi32, #tpu.memory_space<vmem>> -> memref<125xi32, #tpu.memory_space<vmem>>
      %dma_start3A_126 = arith.constant 0 : i32
      %dma_start3A_127 = arith.constant 0 : i32
      %dma_start3A_128 = tpu.memref_slice %arg2[%dma_start3A_126, %dma_start3A_127] : memref<10000x128xf32, #tpu.memory_space<hbm>> -> memref<10000x128xf32, #tpu.memory_space<hbm>>
      tpu.enqueue_indirect_dma source(%dma_start3A_128 : memref<10000x128xf32, #tpu.memory_space<hbm>>) target(%arg12 : memref<125x128xf32, #tpu.memory_space<vmem>>) offsets(%dma_start3A_125 : memref<125xi32, #tpu.memory_space<vmem>>) semaphore(%arg18 : memref<!tpu.dma_semaphore, #tpu.memory_space<semaphore_mem>>)
      %dma_wait3A_129 = arith.constant 0 : i32
      %dma_wait3A_130 = arith.constant 0 : i32
      %dma_wait3A_131 = tpu.memref_slice %arg9[%dma_wait3A_129, %dma_wait3A_130] : memref<2x125xi32, #tpu.memory_space<vmem>> -> memref<1x125xi32, #tpu.memory_space<vmem>>
      %dma_wait3A_132 = tpu.memref_squeeze %dma_wait3A_131 : memref<1x125xi32, #tpu.memory_space<vmem>> -> memref<125xi32, #tpu.memory_space<vmem>>
      %dma_wait3A_133 = arith.constant 0 : i32
      %dma_wait3A_134 = arith.constant 0 : i32
      %dma_wait3A_135 = tpu.memref_slice %arg2[%dma_wait3A_133, %dma_wait3A_134] : memref<10000x128xf32, #tpu.memory_space<hbm>> -> memref<10000x128xf32, #tpu.memory_space<hbm>>
      tpu.wait_indirect_dma semaphore(%arg17 : memref<!tpu.dma_semaphore, #tpu.memory_space<semaphore_mem>>) src(%dma_wait3A_135 : memref<10000x128xf32, #tpu.memory_space<hbm>>) dst(%arg11 : memref<125x128xf32, #tpu.memory_space<vmem>>)
      %run_scoped3A_136 = arith.constant 1 : i32
      "tpu.region"() ({
        %run_scoped3A_166 = tpu.sem_alloc : memref<!tpu.dma_semaphore, #tpu.memory_space<semaphore_mem>>
        %dma_start3A_167 = arith.constant 0 : i32
        %dma_start3A_168 = tpu.memref_slice %arg9[%run_scoped3A_136, %dma_start3A_167] : memref<2x125xi32, #tpu.memory_space<vmem>> -> memref<1x125xi32, #tpu.memory_space<vmem>>
        %dma_start3A_169 = tpu.memref_squeeze %dma_start3A_168 : memref<1x125xi32, #tpu.memory_space<vmem>> -> memref<125xi32, #tpu.memory_space<vmem>>
        %dma_start3A_170 = arith.constant 0 : i32
        %dma_start3A_171 = arith.constant 0 : i32
        %dma_start3A_172 = tpu.memref_slice %arg6[%dma_start3A_170, %dma_start3A_171] : memref<10240x128xf32, #tpu.memory_space<vmem_shared>> -> memref<10240x128xf32, #tpu.memory_space<vmem_shared>>
        tpu.enqueue_indirect_dma source(%arg11 : memref<125x128xf32, #tpu.memory_space<vmem>>) target(%dma_start3A_172 : memref<10240x128xf32, #tpu.memory_space<vmem_shared>>) offsets(%dma_start3A_169 : memref<125xi32, #tpu.memory_space<vmem>>) semaphore(%run_scoped3A_166 : memref<!tpu.dma_semaphore, #tpu.memory_space<semaphore_mem>>) {add = true}
        %dma_wait3A_173 = arith.constant 0 : i32
        %dma_wait3A_174 = tpu.memref_slice %arg9[%run_scoped3A_136, %dma_wait3A_173] : memref<2x125xi32, #tpu.memory_space<vmem>> -> memref<1x125xi32, #tpu.memory_space<vmem>>
        %dma_wait3A_175 = tpu.memref_squeeze %dma_wait3A_174 : memref<1x125xi32, #tpu.memory_space<vmem>> -> memref<125xi32, #tpu.memory_space<vmem>>
        %dma_wait3A_176 = arith.constant 0 : i32
        %dma_wait3A_177 = arith.constant 0 : i32
        %dma_wait3A_178 = tpu.memref_slice %arg6[%dma_wait3A_176, %dma_wait3A_177] : memref<10240x128xf32, #tpu.memory_space<vmem_shared>> -> memref<10240x128xf32, #tpu.memory_space<vmem_shared>>
        tpu.wait_indirect_dma semaphore(%run_scoped3A_166 : memref<!tpu.dma_semaphore, #tpu.memory_space<semaphore_mem>>) src(%arg11 : memref<125x128xf32, #tpu.memory_space<vmem>>) dst(%dma_wait3A_178 : memref<10240x128xf32, #tpu.memory_space<vmem_shared>>)
        tpu.yield
      }) : () -> ()
      %add3A_137 = arith.constant 6 : i32
      %add3A_138 = arith.addi %mul3A_51, %add3A_137 : i32
      %lt3A_139 = arith.constant 80 : i32
      %lt3A_140 = arith.cmpi slt, %add3A_138, %lt3A_139 : i32
      %convert_element_type3A_141 = arith.extui %lt3A_140 : i1 to i32
      %cond3A_142 = arith.constant 0 : i32
      %cond3A_143 = arith.cmpi ne, %convert_element_type3A_141, %cond3A_142 : i32
      scf.if %cond3A_143 {
        %add3A_166 = arith.constant 6 : i32
        %add3A_167 = arith.addi %mul3A_51, %add3A_166 : i32
        %dma_start3A_168 = arith.constant 0 : i32
        %dma_start3A_169 = arith.constant 0 : i32
        %dma_start3A_170 = tpu.memref_slice %arg3[%add3A, %add3A_167, %dma_start3A_168, %dma_start3A_169] : memref<32x80x2x125xi32, #tpu.memory_space<hbm>> -> memref<1x1x2x125xi32, #tpu.memory_space<hbm>>
        %dma_start3A_171 = tpu.memref_squeeze %dma_start3A_170 : memref<1x1x2x125xi32, #tpu.memory_space<hbm>> -> memref<2x125xi32, #tpu.memory_space<hbm>>
        %dma_start3A_172 = arith.constant 0 : i32
        %dma_start3A_173 = arith.constant 0 : i32
        %dma_start3A_174 = tpu.memref_slice %arg3[%add3A, %add3A_167, %dma_start3A_172, %dma_start3A_173] : memref<32x80x2x125xi32, #tpu.memory_space<hbm>> -> memref<1x1x2x125xi32, #tpu.memory_space<hbm>>
        %dma_start3A_175 = tpu.memref_squeeze %dma_start3A_174 : memref<1x1x2x125xi32, #tpu.memory_space<hbm>> -> memref<2x125xi32, #tpu.memory_space<hbm>>
        tpu.enqueue_dma source(%dma_start3A_175 : memref<2x125xi32, #tpu.memory_space<hbm>>) target(%arg9 : memref<2x125xi32, #tpu.memory_space<vmem>>) target_semaphore(%arg15 : memref<!tpu.dma_semaphore, #tpu.memory_space<semaphore_mem>>)
      } else {
      }
      %add3A_144 = arith.constant 4 : i32
      %add3A_145 = arith.addi %mul3A_51, %add3A_144 : i32
      %lt3A_146 = arith.constant 80 : i32
      %lt3A_147 = arith.cmpi slt, %add3A_145, %lt3A_146 : i32
      %convert_element_type3A_148 = arith.extui %lt3A_147 : i1 to i32
      %cond3A_149 = arith.constant 0 : i32
      %cond3A_150 = arith.cmpi ne, %convert_element_type3A_148, %cond3A_149 : i32
      scf.if %cond3A_150 {
        %add3A_166 = arith.constant 4 : i32
        %add3A_167 = arith.addi %mul3A_51, %add3A_166 : i32
        %dma_wait3A_168 = arith.constant 0 : i32
        %dma_wait3A_169 = arith.constant 0 : i32
        %dma_wait3A_170 = tpu.memref_slice %arg3[%add3A, %add3A_167, %dma_wait3A_168, %dma_wait3A_169] : memref<32x80x2x125xi32, #tpu.memory_space<hbm>> -> memref<1x1x2x125xi32, #tpu.memory_space<hbm>>
        %dma_wait3A_171 = tpu.memref_squeeze %dma_wait3A_170 : memref<1x1x2x125xi32, #tpu.memory_space<hbm>> -> memref<2x125xi32, #tpu.memory_space<hbm>>
        %dma_wait3A_172 = arith.constant 0 : i32
        %dma_wait3A_173 = arith.constant 0 : i32
        %dma_wait3A_174 = tpu.memref_slice %arg3[%add3A, %add3A_167, %dma_wait3A_172, %dma_wait3A_173] : memref<32x80x2x125xi32, #tpu.memory_space<hbm>> -> memref<1x1x2x125xi32, #tpu.memory_space<hbm>>
        %dma_wait3A_175 = tpu.memref_squeeze %dma_wait3A_174 : memref<1x1x2x125xi32, #tpu.memory_space<hbm>> -> memref<2x125xi32, #tpu.memory_space<hbm>>
        tpu.wait_dma2 semaphore(%arg13 : memref<!tpu.dma_semaphore, #tpu.memory_space<semaphore_mem>>) src(%dma_wait3A_175 : memref<2x125xi32, #tpu.memory_space<hbm>>) dst(%arg7 : memref<2x125xi32, #tpu.memory_space<vmem>>)
        %dma_start3A_176 = arith.constant 0 : i32
        %dma_start3A_177 = arith.constant 0 : i32
        %dma_start3A_178 = tpu.memref_slice %arg7[%dma_start3A_176, %dma_start3A_177] : memref<2x125xi32, #tpu.memory_space<vmem>> -> memref<1x125xi32, #tpu.memory_space<vmem>>
        %dma_start3A_179 = tpu.memref_squeeze %dma_start3A_178 : memref<1x125xi32, #tpu.memory_space<vmem>> -> memref<125xi32, #tpu.memory_space<vmem>>
        %dma_start3A_180 = arith.constant 0 : i32
        %dma_start3A_181 = arith.constant 0 : i32
        %dma_start3A_182 = tpu.memref_slice %arg2[%dma_start3A_180, %dma_start3A_181] : memref<10000x128xf32, #tpu.memory_space<hbm>> -> memref<10000x128xf32, #tpu.memory_space<hbm>>
        tpu.enqueue_indirect_dma source(%dma_start3A_182 : memref<10000x128xf32, #tpu.memory_space<hbm>>) target(%arg11 : memref<125x128xf32, #tpu.memory_space<vmem>>) offsets(%dma_start3A_179 : memref<125xi32, #tpu.memory_space<vmem>>) semaphore(%arg17 : memref<!tpu.dma_semaphore, #tpu.memory_space<semaphore_mem>>)
      } else {
      }
      %dma_wait3A_151 = arith.constant 0 : i32
      %dma_wait3A_152 = arith.constant 0 : i32
      %dma_wait3A_153 = tpu.memref_slice %arg10[%dma_wait3A_151, %dma_wait3A_152] : memref<2x125xi32, #tpu.memory_space<vmem>> -> memref<1x125xi32, #tpu.memory_space<vmem>>
      %dma_wait3A_154 = tpu.memref_squeeze %dma_wait3A_153 : memref<1x125xi32, #tpu.memory_space<vmem>> -> memref<125xi32, #tpu.memory_space<vmem>>
      %dma_wait3A_155 = arith.constant 0 : i32
      %dma_wait3A_156 = arith.constant 0 : i32
      %dma_wait3A_157 = tpu.memref_slice %arg2[%dma_wait3A_155, %dma_wait3A_156] : memref<10000x128xf32, #tpu.memory_space<hbm>> -> memref<10000x128xf32, #tpu.memory_space<hbm>>
      tpu.wait_indirect_dma semaphore(%arg18 : memref<!tpu.dma_semaphore, #tpu.memory_space<semaphore_mem>>) src(%dma_wait3A_157 : memref<10000x128xf32, #tpu.memory_space<hbm>>) dst(%arg12 : memref<125x128xf32, #tpu.memory_space<vmem>>)
      %run_scoped3A_158 = arith.constant 1 : i32
      "tpu.region"() ({
        %run_scoped3A_166 = tpu.sem_alloc : memref<!tpu.dma_semaphore, #tpu.memory_space<semaphore_mem>>
        %dma_start3A_167 = arith.constant 0 : i32
        %dma_start3A_168 = tpu.memref_slice %arg10[%run_scoped3A_158, %dma_start3A_167] : memref<2x125xi32, #tpu.memory_space<vmem>> -> memref<1x125xi32, #tpu.memory_space<vmem>>
        %dma_start3A_169 = tpu.memref_squeeze %dma_start3A_168 : memref<1x125xi32, #tpu.memory_space<vmem>> -> memref<125xi32, #tpu.memory_space<vmem>>
        %dma_start3A_170 = arith.constant 0 : i32
        %dma_start3A_171 = arith.constant 0 : i32
        %dma_start3A_172 = tpu.memref_slice %arg6[%dma_start3A_170, %dma_start3A_171] : memref<10240x128xf32, #tpu.memory_space<vmem_shared>> -> memref<10240x128xf32, #tpu.memory_space<vmem_shared>>
        tpu.enqueue_indirect_dma source(%arg12 : memref<125x128xf32, #tpu.memory_space<vmem>>) target(%dma_start3A_172 : memref<10240x128xf32, #tpu.memory_space<vmem_shared>>) offsets(%dma_start3A_169 : memref<125xi32, #tpu.memory_space<vmem>>) semaphore(%run_scoped3A_166 : memref<!tpu.dma_semaphore, #tpu.memory_space<semaphore_mem>>) {add = true}
        %dma_wait3A_173 = arith.constant 0 : i32
        %dma_wait3A_174 = tpu.memref_slice %arg10[%run_scoped3A_158, %dma_wait3A_173] : memref<2x125xi32, #tpu.memory_space<vmem>> -> memref<1x125xi32, #tpu.memory_space<vmem>>
        %dma_wait3A_175 = tpu.memref_squeeze %dma_wait3A_174 : memref<1x125xi32, #tpu.memory_space<vmem>> -> memref<125xi32, #tpu.memory_space<vmem>>
        %dma_wait3A_176 = arith.constant 0 : i32
        %dma_wait3A_177 = arith.constant 0 : i32
        %dma_wait3A_178 = tpu.memref_slice %arg6[%dma_wait3A_176, %dma_wait3A_177] : memref<10240x128xf32, #tpu.memory_space<vmem_shared>> -> memref<10240x128xf32, #tpu.memory_space<vmem_shared>>
        tpu.wait_indirect_dma semaphore(%run_scoped3A_166 : memref<!tpu.dma_semaphore, #tpu.memory_space<semaphore_mem>>) src(%arg12 : memref<125x128xf32, #tpu.memory_space<vmem>>) dst(%dma_wait3A_178 : memref<10240x128xf32, #tpu.memory_space<vmem_shared>>)
        tpu.yield
      }) : () -> ()
      %add3A_159 = arith.constant 7 : i32
      %add3A_160 = arith.addi %mul3A_51, %add3A_159 : i32
      %lt3A_161 = arith.constant 80 : i32
      %lt3A_162 = arith.cmpi slt, %add3A_160, %lt3A_161 : i32
      %convert_element_type3A_163 = arith.extui %lt3A_162 : i1 to i32
      %cond3A_164 = arith.constant 0 : i32
      %cond3A_165 = arith.cmpi ne, %convert_element_type3A_163, %cond3A_164 : i32
      scf.if %cond3A_165 {
        %add3A_166 = arith.constant 7 : i32
        %add3A_167 = arith.addi %mul3A_51, %add3A_166 : i32
        %dma_start3A_168 = arith.constant 0 : i32
        %dma_start3A_169 = arith.constant 0 : i32
        %dma_start3A_170 = tpu.memref_slice %arg3[%add3A, %add3A_167, %dma_start3A_168, %dma_start3A_169] : memref<32x80x2x125xi32, #tpu.memory_space<hbm>> -> memref<1x1x2x125xi32, #tpu.memory_space<hbm>>
        %dma_start3A_171 = tpu.memref_squeeze %dma_start3A_170 : memref<1x1x2x125xi32, #tpu.memory_space<hbm>> -> memref<2x125xi32, #tpu.memory_space<hbm>>
        %dma_start3A_172 = arith.constant 0 : i32
        %dma_start3A_173 = arith.constant 0 : i32
        %dma_start3A_174 = tpu.memref_slice %arg3[%add3A, %add3A_167, %dma_start3A_172, %dma_start3A_173] : memref<32x80x2x125xi32, #tpu.memory_space<hbm>> -> memref<1x1x2x125xi32, #tpu.memory_space<hbm>>
        %dma_start3A_175 = tpu.memref_squeeze %dma_start3A_174 : memref<1x1x2x125xi32, #tpu.memory_space<hbm>> -> memref<2x125xi32, #tpu.memory_space<hbm>>
        tpu.enqueue_dma source(%dma_start3A_175 : memref<2x125xi32, #tpu.memory_space<hbm>>) target(%arg10 : memref<2x125xi32, #tpu.memory_space<vmem>>) target_semaphore(%arg16 : memref<!tpu.dma_semaphore, #tpu.memory_space<semaphore_mem>>)
      } else {
      }
    }
    %scan3A_39 = arith.constant 20 : i32
    %barrier3A_40 = arith.constant 0 : index
    tpu.barrier barrier_id(%barrier3A_40)
    %mul3A_41 = arith.constant 640 : i32
    %mul3A_42 = arith.muli %arg1, %mul3A_41 : i32
    %mul3A_43 = arith.constant 640 : i32
    %mul3A_44 = arith.muli %arg1, %mul3A_43 : i32
    "tpu.region"() ({
      %run_scoped3A_45 = tpu.sem_alloc : memref<!tpu.dma_semaphore, #tpu.memory_space<semaphore_mem>>
      %dma_start3A_46 = arith.constant 0 : i32
      %dma_start3A_47 = tpu.memref_slice %arg5[%arg0, %mul3A_44, %dma_start3A_46] : memref<2x10240x128xf32, #tpu.memory_space<hbm>> -> memref<1x640x128xf32, #tpu.memory_space<hbm>>
      %dma_start3A_48 = tpu.memref_squeeze %dma_start3A_47 : memref<1x640x128xf32, #tpu.memory_space<hbm>> -> memref<640x128xf32, #tpu.memory_space<hbm>>
      %dma_start3A_49 = arith.constant 0 : i32
      %dma_start3A_50 = tpu.memref_slice %arg6[%mul3A_42, %dma_start3A_49] : memref<10240x128xf32, #tpu.memory_space<vmem_shared>> -> memref<640x128xf32, #tpu.memory_space<vmem_shared>>
      tpu.enqueue_dma source(%dma_start3A_50 : memref<640x128xf32, #tpu.memory_space<vmem_shared>>) target(%dma_start3A_48 : memref<640x128xf32, #tpu.memory_space<hbm>>) target_semaphore(%run_scoped3A_45 : memref<!tpu.dma_semaphore, #tpu.memory_space<semaphore_mem>>)
      %dma_wait3A = arith.constant 0 : i32
      %dma_wait3A_51 = tpu.memref_slice %arg5[%arg0, %mul3A_44, %dma_wait3A] : memref<2x10240x128xf32, #tpu.memory_space<hbm>> -> memref<1x640x128xf32, #tpu.memory_space<hbm>>
      %dma_wait3A_52 = tpu.memref_squeeze %dma_wait3A_51 : memref<1x640x128xf32, #tpu.memory_space<hbm>> -> memref<640x128xf32, #tpu.memory_space<hbm>>
      %dma_wait3A_53 = arith.constant 0 : i32
      %dma_wait3A_54 = tpu.memref_slice %arg6[%mul3A_42, %dma_wait3A_53] : memref<10240x128xf32, #tpu.memory_space<vmem_shared>> -> memref<640x128xf32, #tpu.memory_space<vmem_shared>>
      tpu.wait_dma2 semaphore(%run_scoped3A_45 : memref<!tpu.dma_semaphore, #tpu.memory_space<semaphore_mem>>) src(%dma_wait3A_54 : memref<640x128xf32, #tpu.memory_space<vmem_shared>>) dst(%dma_wait3A_52 : memref<640x128xf32, #tpu.memory_space<hbm>>)
      tpu.yield
    }) : () -> ()
    return
  }
}

#map = affine_map<(d0, d1) -> (0, 0)>
#map1 = affine_map<(d0, d1) -> (0, 0, 0, 0)>
#map2 = affine_map<(d0, d1) -> (0, 0, 0)>
module attributes {stable_mosaic.version = 14 : i64} {
  func.func @_edge_body(%arg0: i32, %arg1: i32, %arg2: memref<10000x128xf32, #tpu.memory_space<hbm>>, %arg3: memref<32x80x2x125xi32, #tpu.memory_space<hbm>>, %arg4: memref<640x128xf32, #tpu.memory_space<hbm>>, %arg5: memref<2x10240x128xf32, #tpu.memory_space<hbm>>, %arg6: memref<10240x128xf32, #tpu.memory_space<vmem_shared>>, %arg7: memref<2x125xi32, #tpu.memory_space<vmem>>, %arg8: memref<2x125xi32, #tpu.memory_space<vmem>>, %arg9: memref<2x125xi32, #tpu.memory_space<vmem>>, %arg10: memref<2x125xi32, #tpu.memory_space<vmem>>, %arg11: memref<125x128xf32, #tpu.memory_space<vmem>>, %arg12: memref<125x128xf32, #tpu.memory_space<vmem>>, %arg13: memref<!tpu.dma_semaphore, #tpu.memory_space<semaphore_mem>>, %arg14: memref<!tpu.dma_semaphore, #tpu.memory_space<semaphore_mem>>, %arg15: memref<!tpu.dma_semaphore, #tpu.memory_space<semaphore_mem>>, %arg16: memref<!tpu.dma_semaphore, #tpu.memory_space<semaphore_mem>>, %arg17: memref<!tpu.dma_semaphore, #tpu.memory_space<semaphore_mem>>, %arg18: memref<!tpu.dma_semaphore, #tpu.memory_space<semaphore_mem>>) attributes {dimension_semantics = [#tpu.dimension_semantics<core_parallel>, #tpu.dimension_semantics<subcore_parallel>], iteration_bounds = array<i64: 2, 16>, scalar_prefetch = 0 : i64, scratch_operands = 13 : i64, tpu.core_type = #tpu.core_type<sc_vector_subcore>, window_params = [{transform_indices = #map}, {transform_indices = #map1}, {transform_indices = #map}, {transform_indices = #map2}]} {
    %mul3A = arith.constant 2 : i32
    %mul3A_0 = arith.muli %arg1, %mul3A : i32
    %add3A = arith.addi %mul3A_0, %arg0 : i32
    %mul3A_1 = arith.constant 640 : i32
    %mul3A_2 = arith.muli %arg1, %mul3A_1 : i32
    "tpu.region"() ({
      %run_scoped3A_45 = tpu.sem_alloc : memref<!tpu.dma_semaphore, #tpu.memory_space<semaphore_mem>>
      %dma_start3A_46 = arith.constant 0 : i32
      %dma_start3A_47 = tpu.memref_slice %arg6[%mul3A_2, %dma_start3A_46] : memref<10240x128xf32, #tpu.memory_space<vmem_shared>> -> memref<640x128xf32, #tpu.memory_space<vmem_shared>>
      tpu.enqueue_dma source(%arg4 : memref<640x128xf32, #tpu.memory_space<hbm>>) target(%dma_start3A_47 : memref<640x128xf32, #tpu.memory_space<vmem_shared>>) target_semaphore(%run_scoped3A_45 : memref<!tpu.dma_semaphore, #tpu.memory_space<semaphore_mem>>)
      %dma_wait3A = arith.constant 0 : i32
      %dma_wait3A_48 = tpu.memref_slice %arg6[%mul3A_2, %dma_wait3A] : memref<10240x128xf32, #tpu.memory_space<vmem_shared>> -> memref<640x128xf32, #tpu.memory_space<vmem_shared>>
      tpu.wait_dma2 semaphore(%run_scoped3A_45 : memref<!tpu.dma_semaphore, #tpu.memory_space<semaphore_mem>>) src(%arg4 : memref<640x128xf32, #tpu.memory_space<hbm>>) dst(%dma_wait3A_48 : memref<640x128xf32, #tpu.memory_space<vmem_shared>>)
      tpu.yield
    }) : () -> ()
    %run_scoped3A = arith.constant 0 : i32
    "tpu.region"() ({
      %run_scoped3A_45 = tpu.sem_alloc : memref<!tpu.dma_semaphore, #tpu.memory_space<semaphore_mem>>
      %dma_start3A_46 = arith.constant 0 : i32
      %dma_start3A_47 = arith.constant 0 : i32
      %dma_start3A_48 = tpu.memref_slice %arg3[%add3A, %run_scoped3A, %dma_start3A_46, %dma_start3A_47] : memref<32x80x2x125xi32, #tpu.memory_space<hbm>> -> memref<1x1x2x125xi32, #tpu.memory_space<hbm>>
      %dma_start3A_49 = tpu.memref_squeeze %dma_start3A_48 : memref<1x1x2x125xi32, #tpu.memory_space<hbm>> -> memref<2x125xi32, #tpu.memory_space<hbm>>
      %dma_start3A_50 = arith.constant 0 : i32
      %dma_start3A_51 = arith.constant 0 : i32
      %dma_start3A_52 = tpu.memref_slice %arg3[%add3A, %run_scoped3A, %dma_start3A_50, %dma_start3A_51] : memref<32x80x2x125xi32, #tpu.memory_space<hbm>> -> memref<1x1x2x125xi32, #tpu.memory_space<hbm>>
      %dma_start3A_53 = tpu.memref_squeeze %dma_start3A_52 : memref<1x1x2x125xi32, #tpu.memory_space<hbm>> -> memref<2x125xi32, #tpu.memory_space<hbm>>
      tpu.enqueue_dma source(%dma_start3A_53 : memref<2x125xi32, #tpu.memory_space<hbm>>) target(%arg7 : memref<2x125xi32, #tpu.memory_space<vmem>>) target_semaphore(%run_scoped3A_45 : memref<!tpu.dma_semaphore, #tpu.memory_space<semaphore_mem>>)
      %dma_wait3A = arith.constant 0 : i32
      %dma_wait3A_54 = arith.constant 0 : i32
      %dma_wait3A_55 = tpu.memref_slice %arg3[%add3A, %run_scoped3A, %dma_wait3A, %dma_wait3A_54] : memref<32x80x2x125xi32, #tpu.memory_space<hbm>> -> memref<1x1x2x125xi32, #tpu.memory_space<hbm>>
      %dma_wait3A_56 = tpu.memref_squeeze %dma_wait3A_55 : memref<1x1x2x125xi32, #tpu.memory_space<hbm>> -> memref<2x125xi32, #tpu.memory_space<hbm>>
      %dma_wait3A_57 = arith.constant 0 : i32
      %dma_wait3A_58 = arith.constant 0 : i32
      %dma_wait3A_59 = tpu.memref_slice %arg3[%add3A, %run_scoped3A, %dma_wait3A_57, %dma_wait3A_58] : memref<32x80x2x125xi32, #tpu.memory_space<hbm>> -> memref<1x1x2x125xi32, #tpu.memory_space<hbm>>
      %dma_wait3A_60 = tpu.memref_squeeze %dma_wait3A_59 : memref<1x1x2x125xi32, #tpu.memory_space<hbm>> -> memref<2x125xi32, #tpu.memory_space<hbm>>
      tpu.wait_dma2 semaphore(%run_scoped3A_45 : memref<!tpu.dma_semaphore, #tpu.memory_space<semaphore_mem>>) src(%dma_wait3A_60 : memref<2x125xi32, #tpu.memory_space<hbm>>) dst(%arg7 : memref<2x125xi32, #tpu.memory_space<vmem>>)
      tpu.yield
    }) : () -> ()
    %barrier3A = arith.constant 0 : index
    tpu.barrier barrier_id(%barrier3A)
    %dma_start3A = arith.constant 0 : i32
    %dma_start3A_3 = arith.constant 0 : i32
    %dma_start3A_4 = tpu.memref_slice %arg7[%dma_start3A, %dma_start3A_3] : memref<2x125xi32, #tpu.memory_space<vmem>> -> memref<1x125xi32, #tpu.memory_space<vmem>>
    %dma_start3A_5 = tpu.memref_squeeze %dma_start3A_4 : memref<1x125xi32, #tpu.memory_space<vmem>> -> memref<125xi32, #tpu.memory_space<vmem>>
    %dma_start3A_6 = arith.constant 0 : i32
    %dma_start3A_7 = arith.constant 0 : i32
    %dma_start3A_8 = tpu.memref_slice %arg2[%dma_start3A_6, %dma_start3A_7] : memref<10000x128xf32, #tpu.memory_space<hbm>> -> memref<10000x128xf32, #tpu.memory_space<hbm>>
    tpu.enqueue_indirect_dma source(%dma_start3A_8 : memref<10000x128xf32, #tpu.memory_space<hbm>>) target(%arg11 : memref<125x128xf32, #tpu.memory_space<vmem>>) offsets(%dma_start3A_5 : memref<125xi32, #tpu.memory_space<vmem>>) semaphore(%arg17 : memref<!tpu.dma_semaphore, #tpu.memory_space<semaphore_mem>>)
    %dma_start3A_9 = arith.constant 1 : i32
    %dma_start3A_10 = arith.constant 0 : i32
    %dma_start3A_11 = arith.constant 0 : i32
    %dma_start3A_12 = tpu.memref_slice %arg3[%add3A, %dma_start3A_9, %dma_start3A_10, %dma_start3A_11] : memref<32x80x2x125xi32, #tpu.memory_space<hbm>> -> memref<1x1x2x125xi32, #tpu.memory_space<hbm>>
    %dma_start3A_13 = tpu.memref_squeeze %dma_start3A_12 : memref<1x1x2x125xi32, #tpu.memory_space<hbm>> -> memref<2x125xi32, #tpu.memory_space<hbm>>
    %dma_start3A_14 = arith.constant 0 : i32
    %dma_start3A_15 = arith.constant 0 : i32
    %dma_start3A_16 = tpu.memref_slice %arg3[%add3A, %dma_start3A_9, %dma_start3A_14, %dma_start3A_15] : memref<32x80x2x125xi32, #tpu.memory_space<hbm>> -> memref<1x1x2x125xi32, #tpu.memory_space<hbm>>
    %dma_start3A_17 = tpu.memref_squeeze %dma_start3A_16 : memref<1x1x2x125xi32, #tpu.memory_space<hbm>> -> memref<2x125xi32, #tpu.memory_space<hbm>>
    tpu.enqueue_dma source(%dma_start3A_17 : memref<2x125xi32, #tpu.memory_space<hbm>>) target(%arg8 : memref<2x125xi32, #tpu.memory_space<vmem>>) target_semaphore(%arg14 : memref<!tpu.dma_semaphore, #tpu.memory_space<semaphore_mem>>)
    %dma_start3A_18 = arith.constant 2 : i32
    %dma_start3A_19 = arith.constant 0 : i32
    %dma_start3A_20 = arith.constant 0 : i32
    %dma_start3A_21 = tpu.memref_slice %arg3[%add3A, %dma_start3A_18, %dma_start3A_19, %dma_start3A_20] : memref<32x80x2x125xi32, #tpu.memory_space<hbm>> -> memref<1x1x2x125xi32, #tpu.memory_space<hbm>>
    %dma_start3A_22 = tpu.memref_squeeze %dma_start3A_21 : memref<1x1x2x125xi32, #tpu.memory_space<hbm>> -> memref<2x125xi32, #tpu.memory_space<hbm>>
    %dma_start3A_23 = arith.constant 0 : i32
    %dma_start3A_24 = arith.constant 0 : i32
    %dma_start3A_25 = tpu.memref_slice %arg3[%add3A, %dma_start3A_18, %dma_start3A_23, %dma_start3A_24] : memref<32x80x2x125xi32, #tpu.memory_space<hbm>> -> memref<1x1x2x125xi32, #tpu.memory_space<hbm>>
    %dma_start3A_26 = tpu.memref_squeeze %dma_start3A_25 : memref<1x1x2x125xi32, #tpu.memory_space<hbm>> -> memref<2x125xi32, #tpu.memory_space<hbm>>
    tpu.enqueue_dma source(%dma_start3A_26 : memref<2x125xi32, #tpu.memory_space<hbm>>) target(%arg9 : memref<2x125xi32, #tpu.memory_space<vmem>>) target_semaphore(%arg15 : memref<!tpu.dma_semaphore, #tpu.memory_space<semaphore_mem>>)
    %dma_start3A_27 = arith.constant 3 : i32
    %dma_start3A_28 = arith.constant 0 : i32
    %dma_start3A_29 = arith.constant 0 : i32
    %dma_start3A_30 = tpu.memref_slice %arg3[%add3A, %dma_start3A_27, %dma_start3A_28, %dma_start3A_29] : memref<32x80x2x125xi32, #tpu.memory_space<hbm>> -> memref<1x1x2x125xi32, #tpu.memory_space<hbm>>
    %dma_start3A_31 = tpu.memref_squeeze %dma_start3A_30 : memref<1x1x2x125xi32, #tpu.memory_space<hbm>> -> memref<2x125xi32, #tpu.memory_space<hbm>>
    %dma_start3A_32 = arith.constant 0 : i32
    %dma_start3A_33 = arith.constant 0 : i32
    %dma_start3A_34 = tpu.memref_slice %arg3[%add3A, %dma_start3A_27, %dma_start3A_32, %dma_start3A_33] : memref<32x80x2x125xi32, #tpu.memory_space<hbm>> -> memref<1x1x2x125xi32, #tpu.memory_space<hbm>>
    %dma_start3A_35 = tpu.memref_squeeze %dma_start3A_34 : memref<1x1x2x125xi32, #tpu.memory_space<hbm>> -> memref<2x125xi32, #tpu.memory_space<hbm>>
    tpu.enqueue_dma source(%dma_start3A_35 : memref<2x125xi32, #tpu.memory_space<hbm>>) target(%arg10 : memref<2x125xi32, #tpu.memory_space<vmem>>) target_semaphore(%arg16 : memref<!tpu.dma_semaphore, #tpu.memory_space<semaphore_mem>>)
    %scan3A = arith.constant 0 : i32
    %scan3A_36 = arith.constant 20 : i32
    %scan3A_37 = arith.addi %scan3A, %scan3A_36 : i32
    %scan3A_38 = arith.constant 1 : i32
    scf.for %scan3A_45 = %scan3A to %scan3A_37 step %scan3A_38  : i32 {
      %mul3A_46 = arith.constant 1 : i32
      %mul3A_47 = arith.muli %scan3A_45, %mul3A_46 : i32
      %add3A_48 = arith.constant 0 : i32
      %add3A_49 = arith.addi %add3A_48, %mul3A_47 : i32
      %mul3A_50 = arith.constant 4 : i32
      %mul3A_51 = arith.muli %mul3A_50, %add3A_49 : i32
      %add3A_52 = arith.constant 1 : i32
      %add3A_53 = arith.addi %mul3A_51, %add3A_52 : i32
      %dma_wait3A = arith.constant 0 : i32
      %dma_wait3A_54 = arith.constant 0 : i32
      %dma_wait3A_55 = tpu.memref_slice %arg3[%add3A, %add3A_53, %dma_wait3A, %dma_wait3A_54] : memref<32x80x2x125xi32, #tpu.memory_space<hbm>> -> memref<1x1x2x125xi32, #tpu.memory_space<hbm>>
      %dma_wait3A_56 = tpu.memref_squeeze %dma_wait3A_55 : memref<1x1x2x125xi32, #tpu.memory_space<hbm>> -> memref<2x125xi32, #tpu.memory_space<hbm>>
      %dma_wait3A_57 = arith.constant 0 : i32
      %dma_wait3A_58 = arith.constant 0 : i32
      %dma_wait3A_59 = tpu.memref_slice %arg3[%add3A, %add3A_53, %dma_wait3A_57, %dma_wait3A_58] : memref<32x80x2x125xi32, #tpu.memory_space<hbm>> -> memref<1x1x2x125xi32, #tpu.memory_space<hbm>>
      %dma_wait3A_60 = tpu.memref_squeeze %dma_wait3A_59 : memref<1x1x2x125xi32, #tpu.memory_space<hbm>> -> memref<2x125xi32, #tpu.memory_space<hbm>>
      tpu.wait_dma2 semaphore(%arg14 : memref<!tpu.dma_semaphore, #tpu.memory_space<semaphore_mem>>) src(%dma_wait3A_60 : memref<2x125xi32, #tpu.memory_space<hbm>>) dst(%arg8 : memref<2x125xi32, #tpu.memory_space<vmem>>)
      %dma_start3A_61 = arith.constant 0 : i32
      %dma_start3A_62 = arith.constant 0 : i32
      %dma_start3A_63 = tpu.memref_slice %arg8[%dma_start3A_61, %dma_start3A_62] : memref<2x125xi32, #tpu.memory_space<vmem>> -> memref<1x125xi32, #tpu.memory_space<vmem>>
      %dma_start3A_64 = tpu.memref_squeeze %dma_start3A_63 : memref<1x125xi32, #tpu.memory_space<vmem>> -> memref<125xi32, #tpu.memory_space<vmem>>
      %dma_start3A_65 = arith.constant 0 : i32
      %dma_start3A_66 = arith.constant 0 : i32
      %dma_start3A_67 = tpu.memref_slice %arg2[%dma_start3A_65, %dma_start3A_66] : memref<10000x128xf32, #tpu.memory_space<hbm>> -> memref<10000x128xf32, #tpu.memory_space<hbm>>
      tpu.enqueue_indirect_dma source(%dma_start3A_67 : memref<10000x128xf32, #tpu.memory_space<hbm>>) target(%arg12 : memref<125x128xf32, #tpu.memory_space<vmem>>) offsets(%dma_start3A_64 : memref<125xi32, #tpu.memory_space<vmem>>) semaphore(%arg18 : memref<!tpu.dma_semaphore, #tpu.memory_space<semaphore_mem>>)
      %dma_wait3A_68 = arith.constant 0 : i32
      %dma_wait3A_69 = arith.constant 0 : i32
      %dma_wait3A_70 = tpu.memref_slice %arg7[%dma_wait3A_68, %dma_wait3A_69] : memref<2x125xi32, #tpu.memory_space<vmem>> -> memref<1x125xi32, #tpu.memory_space<vmem>>
      %dma_wait3A_71 = tpu.memref_squeeze %dma_wait3A_70 : memref<1x125xi32, #tpu.memory_space<vmem>> -> memref<125xi32, #tpu.memory_space<vmem>>
      %dma_wait3A_72 = arith.constant 0 : i32
      %dma_wait3A_73 = arith.constant 0 : i32
      %dma_wait3A_74 = tpu.memref_slice %arg2[%dma_wait3A_72, %dma_wait3A_73] : memref<10000x128xf32, #tpu.memory_space<hbm>> -> memref<10000x128xf32, #tpu.memory_space<hbm>>
      tpu.wait_indirect_dma semaphore(%arg17 : memref<!tpu.dma_semaphore, #tpu.memory_space<semaphore_mem>>) src(%dma_wait3A_74 : memref<10000x128xf32, #tpu.memory_space<hbm>>) dst(%arg11 : memref<125x128xf32, #tpu.memory_space<vmem>>)
      %run_scoped3A_75 = arith.constant 1 : i32
      "tpu.region"() ({
        %run_scoped3A_166 = tpu.sem_alloc : memref<!tpu.dma_semaphore, #tpu.memory_space<semaphore_mem>>
        %dma_start3A_167 = arith.constant 0 : i32
        %dma_start3A_168 = tpu.memref_slice %arg7[%run_scoped3A_75, %dma_start3A_167] : memref<2x125xi32, #tpu.memory_space<vmem>> -> memref<1x125xi32, #tpu.memory_space<vmem>>
        %dma_start3A_169 = tpu.memref_squeeze %dma_start3A_168 : memref<1x125xi32, #tpu.memory_space<vmem>> -> memref<125xi32, #tpu.memory_space<vmem>>
        %dma_start3A_170 = arith.constant 0 : i32
        %dma_start3A_171 = arith.constant 0 : i32
        %dma_start3A_172 = tpu.memref_slice %arg6[%dma_start3A_170, %dma_start3A_171] : memref<10240x128xf32, #tpu.memory_space<vmem_shared>> -> memref<10240x128xf32, #tpu.memory_space<vmem_shared>>
        tpu.enqueue_indirect_dma source(%arg11 : memref<125x128xf32, #tpu.memory_space<vmem>>) target(%dma_start3A_172 : memref<10240x128xf32, #tpu.memory_space<vmem_shared>>) offsets(%dma_start3A_169 : memref<125xi32, #tpu.memory_space<vmem>>) semaphore(%run_scoped3A_166 : memref<!tpu.dma_semaphore, #tpu.memory_space<semaphore_mem>>) {add = true}
        %dma_wait3A_173 = arith.constant 0 : i32
        %dma_wait3A_174 = tpu.memref_slice %arg7[%run_scoped3A_75, %dma_wait3A_173] : memref<2x125xi32, #tpu.memory_space<vmem>> -> memref<1x125xi32, #tpu.memory_space<vmem>>
        %dma_wait3A_175 = tpu.memref_squeeze %dma_wait3A_174 : memref<1x125xi32, #tpu.memory_space<vmem>> -> memref<125xi32, #tpu.memory_space<vmem>>
        %dma_wait3A_176 = arith.constant 0 : i32
        %dma_wait3A_177 = arith.constant 0 : i32
        %dma_wait3A_178 = tpu.memref_slice %arg6[%dma_wait3A_176, %dma_wait3A_177] : memref<10240x128xf32, #tpu.memory_space<vmem_shared>> -> memref<10240x128xf32, #tpu.memory_space<vmem_shared>>
        tpu.wait_indirect_dma semaphore(%run_scoped3A_166 : memref<!tpu.dma_semaphore, #tpu.memory_space<semaphore_mem>>) src(%arg11 : memref<125x128xf32, #tpu.memory_space<vmem>>) dst(%dma_wait3A_178 : memref<10240x128xf32, #tpu.memory_space<vmem_shared>>)
        tpu.yield
      }) : () -> ()
      %add3A_76 = arith.constant 4 : i32
      %add3A_77 = arith.addi %mul3A_51, %add3A_76 : i32
      %lt3A = arith.constant 80 : i32
      %lt3A_78 = arith.cmpi slt, %add3A_77, %lt3A : i32
      %convert_element_type3A = arith.extui %lt3A_78 : i1 to i32
      %cond3A = arith.constant 0 : i32
      %cond3A_79 = arith.cmpi ne, %convert_element_type3A, %cond3A : i32
      scf.if %cond3A_79 {
        %add3A_166 = arith.constant 4 : i32
        %add3A_167 = arith.addi %mul3A_51, %add3A_166 : i32
        %dma_start3A_168 = arith.constant 0 : i32
        %dma_start3A_169 = arith.constant 0 : i32
        %dma_start3A_170 = tpu.memref_slice %arg3[%add3A, %add3A_167, %dma_start3A_168, %dma_start3A_169] : memref<32x80x2x125xi32, #tpu.memory_space<hbm>> -> memref<1x1x2x125xi32, #tpu.memory_space<hbm>>
        %dma_start3A_171 = tpu.memref_squeeze %dma_start3A_170 : memref<1x1x2x125xi32, #tpu.memory_space<hbm>> -> memref<2x125xi32, #tpu.memory_space<hbm>>
        %dma_start3A_172 = arith.constant 0 : i32
        %dma_start3A_173 = arith.constant 0 : i32
        %dma_start3A_174 = tpu.memref_slice %arg3[%add3A, %add3A_167, %dma_start3A_172, %dma_start3A_173] : memref<32x80x2x125xi32, #tpu.memory_space<hbm>> -> memref<1x1x2x125xi32, #tpu.memory_space<hbm>>
        %dma_start3A_175 = tpu.memref_squeeze %dma_start3A_174 : memref<1x1x2x125xi32, #tpu.memory_space<hbm>> -> memref<2x125xi32, #tpu.memory_space<hbm>>
        tpu.enqueue_dma source(%dma_start3A_175 : memref<2x125xi32, #tpu.memory_space<hbm>>) target(%arg7 : memref<2x125xi32, #tpu.memory_space<vmem>>) target_semaphore(%arg13 : memref<!tpu.dma_semaphore, #tpu.memory_space<semaphore_mem>>)
      } else {
      }
      %add3A_80 = arith.constant 2 : i32
      %add3A_81 = arith.addi %mul3A_51, %add3A_80 : i32
      %dma_wait3A_82 = arith.constant 0 : i32
      %dma_wait3A_83 = arith.constant 0 : i32
      %dma_wait3A_84 = tpu.memref_slice %arg3[%add3A, %add3A_81, %dma_wait3A_82, %dma_wait3A_83] : memref<32x80x2x125xi32, #tpu.memory_space<hbm>> -> memref<1x1x2x125xi32, #tpu.memory_space<hbm>>
      %dma_wait3A_85 = tpu.memref_squeeze %dma_wait3A_84 : memref<1x1x2x125xi32, #tpu.memory_space<hbm>> -> memref<2x125xi32, #tpu.memory_space<hbm>>
      %dma_wait3A_86 = arith.constant 0 : i32
      %dma_wait3A_87 = arith.constant 0 : i32
      %dma_wait3A_88 = tpu.memref_slice %arg3[%add3A, %add3A_81, %dma_wait3A_86, %dma_wait3A_87] : memref<32x80x2x125xi32, #tpu.memory_space<hbm>> -> memref<1x1x2x125xi32, #tpu.memory_space<hbm>>
      %dma_wait3A_89 = tpu.memref_squeeze %dma_wait3A_88 : memref<1x1x2x125xi32, #tpu.memory_space<hbm>> -> memref<2x125xi32, #tpu.memory_space<hbm>>
      tpu.wait_dma2 semaphore(%arg15 : memref<!tpu.dma_semaphore, #tpu.memory_space<semaphore_mem>>) src(%dma_wait3A_89 : memref<2x125xi32, #tpu.memory_space<hbm>>) dst(%arg9 : memref<2x125xi32, #tpu.memory_space<vmem>>)
      %dma_start3A_90 = arith.constant 0 : i32
      %dma_start3A_91 = arith.constant 0 : i32
      %dma_start3A_92 = tpu.memref_slice %arg9[%dma_start3A_90, %dma_start3A_91] : memref<2x125xi32, #tpu.memory_space<vmem>> -> memref<1x125xi32, #tpu.memory_space<vmem>>
      %dma_start3A_93 = tpu.memref_squeeze %dma_start3A_92 : memref<1x125xi32, #tpu.memory_space<vmem>> -> memref<125xi32, #tpu.memory_space<vmem>>
      %dma_start3A_94 = arith.constant 0 : i32
      %dma_start3A_95 = arith.constant 0 : i32
      %dma_start3A_96 = tpu.memref_slice %arg2[%dma_start3A_94, %dma_start3A_95] : memref<10000x128xf32, #tpu.memory_space<hbm>> -> memref<10000x128xf32, #tpu.memory_space<hbm>>
      tpu.enqueue_indirect_dma source(%dma_start3A_96 : memref<10000x128xf32, #tpu.memory_space<hbm>>) target(%arg11 : memref<125x128xf32, #tpu.memory_space<vmem>>) offsets(%dma_start3A_93 : memref<125xi32, #tpu.memory_space<vmem>>) semaphore(%arg17 : memref<!tpu.dma_semaphore, #tpu.memory_space<semaphore_mem>>)
      %dma_wait3A_97 = arith.constant 0 : i32
      %dma_wait3A_98 = arith.constant 0 : i32
      %dma_wait3A_99 = tpu.memref_slice %arg8[%dma_wait3A_97, %dma_wait3A_98] : memref<2x125xi32, #tpu.memory_space<vmem>> -> memref<1x125xi32, #tpu.memory_space<vmem>>
      %dma_wait3A_100 = tpu.memref_squeeze %dma_wait3A_99 : memref<1x125xi32, #tpu.memory_space<vmem>> -> memref<125xi32, #tpu.memory_space<vmem>>
      %dma_wait3A_101 = arith.constant 0 : i32
      %dma_wait3A_102 = arith.constant 0 : i32
      %dma_wait3A_103 = tpu.memref_slice %arg2[%dma_wait3A_101, %dma_wait3A_102] : memref<10000x128xf32, #tpu.memory_space<hbm>> -> memref<10000x128xf32, #tpu.memory_space<hbm>>
      tpu.wait_indirect_dma semaphore(%arg18 : memref<!tpu.dma_semaphore, #tpu.memory_space<semaphore_mem>>) src(%dma_wait3A_103 : memref<10000x128xf32, #tpu.memory_space<hbm>>) dst(%arg12 : memref<125x128xf32, #tpu.memory_space<vmem>>)
      %run_scoped3A_104 = arith.constant 1 : i32
      "tpu.region"() ({
        %run_scoped3A_166 = tpu.sem_alloc : memref<!tpu.dma_semaphore, #tpu.memory_space<semaphore_mem>>
        %dma_start3A_167 = arith.constant 0 : i32
        %dma_start3A_168 = tpu.memref_slice %arg8[%run_scoped3A_104, %dma_start3A_167] : memref<2x125xi32, #tpu.memory_space<vmem>> -> memref<1x125xi32, #tpu.memory_space<vmem>>
        %dma_start3A_169 = tpu.memref_squeeze %dma_start3A_168 : memref<1x125xi32, #tpu.memory_space<vmem>> -> memref<125xi32, #tpu.memory_space<vmem>>
        %dma_start3A_170 = arith.constant 0 : i32
        %dma_start3A_171 = arith.constant 0 : i32
        %dma_start3A_172 = tpu.memref_slice %arg6[%dma_start3A_170, %dma_start3A_171] : memref<10240x128xf32, #tpu.memory_space<vmem_shared>> -> memref<10240x128xf32, #tpu.memory_space<vmem_shared>>
        tpu.enqueue_indirect_dma source(%arg12 : memref<125x128xf32, #tpu.memory_space<vmem>>) target(%dma_start3A_172 : memref<10240x128xf32, #tpu.memory_space<vmem_shared>>) offsets(%dma_start3A_169 : memref<125xi32, #tpu.memory_space<vmem>>) semaphore(%run_scoped3A_166 : memref<!tpu.dma_semaphore, #tpu.memory_space<semaphore_mem>>) {add = true}
        %dma_wait3A_173 = arith.constant 0 : i32
        %dma_wait3A_174 = tpu.memref_slice %arg8[%run_scoped3A_104, %dma_wait3A_173] : memref<2x125xi32, #tpu.memory_space<vmem>> -> memref<1x125xi32, #tpu.memory_space<vmem>>
        %dma_wait3A_175 = tpu.memref_squeeze %dma_wait3A_174 : memref<1x125xi32, #tpu.memory_space<vmem>> -> memref<125xi32, #tpu.memory_space<vmem>>
        %dma_wait3A_176 = arith.constant 0 : i32
        %dma_wait3A_177 = arith.constant 0 : i32
        %dma_wait3A_178 = tpu.memref_slice %arg6[%dma_wait3A_176, %dma_wait3A_177] : memref<10240x128xf32, #tpu.memory_space<vmem_shared>> -> memref<10240x128xf32, #tpu.memory_space<vmem_shared>>
        tpu.wait_indirect_dma semaphore(%run_scoped3A_166 : memref<!tpu.dma_semaphore, #tpu.memory_space<semaphore_mem>>) src(%arg12 : memref<125x128xf32, #tpu.memory_space<vmem>>) dst(%dma_wait3A_178 : memref<10240x128xf32, #tpu.memory_space<vmem_shared>>)
        tpu.yield
      }) : () -> ()
      %add3A_105 = arith.constant 5 : i32
      %add3A_106 = arith.addi %mul3A_51, %add3A_105 : i32
      %lt3A_107 = arith.constant 80 : i32
      %lt3A_108 = arith.cmpi slt, %add3A_106, %lt3A_107 : i32
      %convert_element_type3A_109 = arith.extui %lt3A_108 : i1 to i32
      %cond3A_110 = arith.constant 0 : i32
      %cond3A_111 = arith.cmpi ne, %convert_element_type3A_109, %cond3A_110 : i32
      scf.if %cond3A_111 {
        %add3A_166 = arith.constant 5 : i32
        %add3A_167 = arith.addi %mul3A_51, %add3A_166 : i32
        %dma_start3A_168 = arith.constant 0 : i32
        %dma_start3A_169 = arith.constant 0 : i32
        %dma_start3A_170 = tpu.memref_slice %arg3[%add3A, %add3A_167, %dma_start3A_168, %dma_start3A_169] : memref<32x80x2x125xi32, #tpu.memory_space<hbm>> -> memref<1x1x2x125xi32, #tpu.memory_space<hbm>>
        %dma_start3A_171 = tpu.memref_squeeze %dma_start3A_170 : memref<1x1x2x125xi32, #tpu.memory_space<hbm>> -> memref<2x125xi32, #tpu.memory_space<hbm>>
        %dma_start3A_172 = arith.constant 0 : i32
        %dma_start3A_173 = arith.constant 0 : i32
        %dma_start3A_174 = tpu.memref_slice %arg3[%add3A, %add3A_167, %dma_start3A_172, %dma_start3A_173] : memref<32x80x2x125xi32, #tpu.memory_space<hbm>> -> memref<1x1x2x125xi32, #tpu.memory_space<hbm>>
        %dma_start3A_175 = tpu.memref_squeeze %dma_start3A_174 : memref<1x1x2x125xi32, #tpu.memory_space<hbm>> -> memref<2x125xi32, #tpu.memory_space<hbm>>
        tpu.enqueue_dma source(%dma_start3A_175 : memref<2x125xi32, #tpu.memory_space<hbm>>) target(%arg8 : memref<2x125xi32, #tpu.memory_space<vmem>>) target_semaphore(%arg14 : memref<!tpu.dma_semaphore, #tpu.memory_space<semaphore_mem>>)
      } else {
      }
      %add3A_112 = arith.constant 3 : i32
      %add3A_113 = arith.addi %mul3A_51, %add3A_112 : i32
      %dma_wait3A_114 = arith.constant 0 : i32
      %dma_wait3A_115 = arith.constant 0 : i32
      %dma_wait3A_116 = tpu.memref_slice %arg3[%add3A, %add3A_113, %dma_wait3A_114, %dma_wait3A_115] : memref<32x80x2x125xi32, #tpu.memory_space<hbm>> -> memref<1x1x2x125xi32, #tpu.memory_space<hbm>>
      %dma_wait3A_117 = tpu.memref_squeeze %dma_wait3A_116 : memref<1x1x2x125xi32, #tpu.memory_space<hbm>> -> memref<2x125xi32, #tpu.memory_space<hbm>>
      %dma_wait3A_118 = arith.constant 0 : i32
      %dma_wait3A_119 = arith.constant 0 : i32
      %dma_wait3A_120 = tpu.memref_slice %arg3[%add3A, %add3A_113, %dma_wait3A_118, %dma_wait3A_119] : memref<32x80x2x125xi32, #tpu.memory_space<hbm>> -> memref<1x1x2x125xi32, #tpu.memory_space<hbm>>
      %dma_wait3A_121 = tpu.memref_squeeze %dma_wait3A_120 : memref<1x1x2x125xi32, #tpu.memory_space<hbm>> -> memref<2x125xi32, #tpu.memory_space<hbm>>
      tpu.wait_dma2 semaphore(%arg16 : memref<!tpu.dma_semaphore, #tpu.memory_space<semaphore_mem>>) src(%dma_wait3A_121 : memref<2x125xi32, #tpu.memory_space<hbm>>) dst(%arg10 : memref<2x125xi32, #tpu.memory_space<vmem>>)
      %dma_start3A_122 = arith.constant 0 : i32
      %dma_start3A_123 = arith.constant 0 : i32
      %dma_start3A_124 = tpu.memref_slice %arg10[%dma_start3A_122, %dma_start3A_123] : memref<2x125xi32, #tpu.memory_space<vmem>> -> memref<1x125xi32, #tpu.memory_space<vmem>>
      %dma_start3A_125 = tpu.memref_squeeze %dma_start3A_124 : memref<1x125xi32, #tpu.memory_space<vmem>> -> memref<125xi32, #tpu.memory_space<vmem>>
      %dma_start3A_126 = arith.constant 0 : i32
      %dma_start3A_127 = arith.constant 0 : i32
      %dma_start3A_128 = tpu.memref_slice %arg2[%dma_start3A_126, %dma_start3A_127] : memref<10000x128xf32, #tpu.memory_space<hbm>> -> memref<10000x128xf32, #tpu.memory_space<hbm>>
      tpu.enqueue_indirect_dma source(%dma_start3A_128 : memref<10000x128xf32, #tpu.memory_space<hbm>>) target(%arg12 : memref<125x128xf32, #tpu.memory_space<vmem>>) offsets(%dma_start3A_125 : memref<125xi32, #tpu.memory_space<vmem>>) semaphore(%arg18 : memref<!tpu.dma_semaphore, #tpu.memory_space<semaphore_mem>>)
      %dma_wait3A_129 = arith.constant 0 : i32
      %dma_wait3A_130 = arith.constant 0 : i32
      %dma_wait3A_131 = tpu.memref_slice %arg9[%dma_wait3A_129, %dma_wait3A_130] : memref<2x125xi32, #tpu.memory_space<vmem>> -> memref<1x125xi32, #tpu.memory_space<vmem>>
      %dma_wait3A_132 = tpu.memref_squeeze %dma_wait3A_131 : memref<1x125xi32, #tpu.memory_space<vmem>> -> memref<125xi32, #tpu.memory_space<vmem>>
      %dma_wait3A_133 = arith.constant 0 : i32
      %dma_wait3A_134 = arith.constant 0 : i32
      %dma_wait3A_135 = tpu.memref_slice %arg2[%dma_wait3A_133, %dma_wait3A_134] : memref<10000x128xf32, #tpu.memory_space<hbm>> -> memref<10000x128xf32, #tpu.memory_space<hbm>>
      tpu.wait_indirect_dma semaphore(%arg17 : memref<!tpu.dma_semaphore, #tpu.memory_space<semaphore_mem>>) src(%dma_wait3A_135 : memref<10000x128xf32, #tpu.memory_space<hbm>>) dst(%arg11 : memref<125x128xf32, #tpu.memory_space<vmem>>)
      %run_scoped3A_136 = arith.constant 1 : i32
      "tpu.region"() ({
        %run_scoped3A_166 = tpu.sem_alloc : memref<!tpu.dma_semaphore, #tpu.memory_space<semaphore_mem>>
        %dma_start3A_167 = arith.constant 0 : i32
        %dma_start3A_168 = tpu.memref_slice %arg9[%run_scoped3A_136, %dma_start3A_167] : memref<2x125xi32, #tpu.memory_space<vmem>> -> memref<1x125xi32, #tpu.memory_space<vmem>>
        %dma_start3A_169 = tpu.memref_squeeze %dma_start3A_168 : memref<1x125xi32, #tpu.memory_space<vmem>> -> memref<125xi32, #tpu.memory_space<vmem>>
        %dma_start3A_170 = arith.constant 0 : i32
        %dma_start3A_171 = arith.constant 0 : i32
        %dma_start3A_172 = tpu.memref_slice %arg6[%dma_start3A_170, %dma_start3A_171] : memref<10240x128xf32, #tpu.memory_space<vmem_shared>> -> memref<10240x128xf32, #tpu.memory_space<vmem_shared>>
        tpu.enqueue_indirect_dma source(%arg11 : memref<125x128xf32, #tpu.memory_space<vmem>>) target(%dma_start3A_172 : memref<10240x128xf32, #tpu.memory_space<vmem_shared>>) offsets(%dma_start3A_169 : memref<125xi32, #tpu.memory_space<vmem>>) semaphore(%run_scoped3A_166 : memref<!tpu.dma_semaphore, #tpu.memory_space<semaphore_mem>>) {add = true}
        %dma_wait3A_173 = arith.constant 0 : i32
        %dma_wait3A_174 = tpu.memref_slice %arg9[%run_scoped3A_136, %dma_wait3A_173] : memref<2x125xi32, #tpu.memory_space<vmem>> -> memref<1x125xi32, #tpu.memory_space<vmem>>
        %dma_wait3A_175 = tpu.memref_squeeze %dma_wait3A_174 : memref<1x125xi32, #tpu.memory_space<vmem>> -> memref<125xi32, #tpu.memory_space<vmem>>
        %dma_wait3A_176 = arith.constant 0 : i32
        %dma_wait3A_177 = arith.constant 0 : i32
        %dma_wait3A_178 = tpu.memref_slice %arg6[%dma_wait3A_176, %dma_wait3A_177] : memref<10240x128xf32, #tpu.memory_space<vmem_shared>> -> memref<10240x128xf32, #tpu.memory_space<vmem_shared>>
        tpu.wait_indirect_dma semaphore(%run_scoped3A_166 : memref<!tpu.dma_semaphore, #tpu.memory_space<semaphore_mem>>) src(%arg11 : memref<125x128xf32, #tpu.memory_space<vmem>>) dst(%dma_wait3A_178 : memref<10240x128xf32, #tpu.memory_space<vmem_shared>>)
        tpu.yield
      }) : () -> ()
      %add3A_137 = arith.constant 6 : i32
      %add3A_138 = arith.addi %mul3A_51, %add3A_137 : i32
      %lt3A_139 = arith.constant 80 : i32
      %lt3A_140 = arith.cmpi slt, %add3A_138, %lt3A_139 : i32
      %convert_element_type3A_141 = arith.extui %lt3A_140 : i1 to i32
      %cond3A_142 = arith.constant 0 : i32
      %cond3A_143 = arith.cmpi ne, %convert_element_type3A_141, %cond3A_142 : i32
      scf.if %cond3A_143 {
        %add3A_166 = arith.constant 6 : i32
        %add3A_167 = arith.addi %mul3A_51, %add3A_166 : i32
        %dma_start3A_168 = arith.constant 0 : i32
        %dma_start3A_169 = arith.constant 0 : i32
        %dma_start3A_170 = tpu.memref_slice %arg3[%add3A, %add3A_167, %dma_start3A_168, %dma_start3A_169] : memref<32x80x2x125xi32, #tpu.memory_space<hbm>> -> memref<1x1x2x125xi32, #tpu.memory_space<hbm>>
        %dma_start3A_171 = tpu.memref_squeeze %dma_start3A_170 : memref<1x1x2x125xi32, #tpu.memory_space<hbm>> -> memref<2x125xi32, #tpu.memory_space<hbm>>
        %dma_start3A_172 = arith.constant 0 : i32
        %dma_start3A_173 = arith.constant 0 : i32
        %dma_start3A_174 = tpu.memref_slice %arg3[%add3A, %add3A_167, %dma_start3A_172, %dma_start3A_173] : memref<32x80x2x125xi32, #tpu.memory_space<hbm>> -> memref<1x1x2x125xi32, #tpu.memory_space<hbm>>
        %dma_start3A_175 = tpu.memref_squeeze %dma_start3A_174 : memref<1x1x2x125xi32, #tpu.memory_space<hbm>> -> memref<2x125xi32, #tpu.memory_space<hbm>>
        tpu.enqueue_dma source(%dma_start3A_175 : memref<2x125xi32, #tpu.memory_space<hbm>>) target(%arg9 : memref<2x125xi32, #tpu.memory_space<vmem>>) target_semaphore(%arg15 : memref<!tpu.dma_semaphore, #tpu.memory_space<semaphore_mem>>)
      } else {
      }
      %add3A_144 = arith.constant 4 : i32
      %add3A_145 = arith.addi %mul3A_51, %add3A_144 : i32
      %lt3A_146 = arith.constant 80 : i32
      %lt3A_147 = arith.cmpi slt, %add3A_145, %lt3A_146 : i32
      %convert_element_type3A_148 = arith.extui %lt3A_147 : i1 to i32
      %cond3A_149 = arith.constant 0 : i32
      %cond3A_150 = arith.cmpi ne, %convert_element_type3A_148, %cond3A_149 : i32
      scf.if %cond3A_150 {
        %add3A_166 = arith.constant 4 : i32
        %add3A_167 = arith.addi %mul3A_51, %add3A_166 : i32
        %dma_wait3A_168 = arith.constant 0 : i32
        %dma_wait3A_169 = arith.constant 0 : i32
        %dma_wait3A_170 = tpu.memref_slice %arg3[%add3A, %add3A_167, %dma_wait3A_168, %dma_wait3A_169] : memref<32x80x2x125xi32, #tpu.memory_space<hbm>> -> memref<1x1x2x125xi32, #tpu.memory_space<hbm>>
        %dma_wait3A_171 = tpu.memref_squeeze %dma_wait3A_170 : memref<1x1x2x125xi32, #tpu.memory_space<hbm>> -> memref<2x125xi32, #tpu.memory_space<hbm>>
        %dma_wait3A_172 = arith.constant 0 : i32
        %dma_wait3A_173 = arith.constant 0 : i32
        %dma_wait3A_174 = tpu.memref_slice %arg3[%add3A, %add3A_167, %dma_wait3A_172, %dma_wait3A_173] : memref<32x80x2x125xi32, #tpu.memory_space<hbm>> -> memref<1x1x2x125xi32, #tpu.memory_space<hbm>>
        %dma_wait3A_175 = tpu.memref_squeeze %dma_wait3A_174 : memref<1x1x2x125xi32, #tpu.memory_space<hbm>> -> memref<2x125xi32, #tpu.memory_space<hbm>>
        tpu.wait_dma2 semaphore(%arg13 : memref<!tpu.dma_semaphore, #tpu.memory_space<semaphore_mem>>) src(%dma_wait3A_175 : memref<2x125xi32, #tpu.memory_space<hbm>>) dst(%arg7 : memref<2x125xi32, #tpu.memory_space<vmem>>)
        %dma_start3A_176 = arith.constant 0 : i32
        %dma_start3A_177 = arith.constant 0 : i32
        %dma_start3A_178 = tpu.memref_slice %arg7[%dma_start3A_176, %dma_start3A_177] : memref<2x125xi32, #tpu.memory_space<vmem>> -> memref<1x125xi32, #tpu.memory_space<vmem>>
        %dma_start3A_179 = tpu.memref_squeeze %dma_start3A_178 : memref<1x125xi32, #tpu.memory_space<vmem>> -> memref<125xi32, #tpu.memory_space<vmem>>
        %dma_start3A_180 = arith.constant 0 : i32
        %dma_start3A_181 = arith.constant 0 : i32
        %dma_start3A_182 = tpu.memref_slice %arg2[%dma_start3A_180, %dma_start3A_181] : memref<10000x128xf32, #tpu.memory_space<hbm>> -> memref<10000x128xf32, #tpu.memory_space<hbm>>
        tpu.enqueue_indirect_dma source(%dma_start3A_182 : memref<10000x128xf32, #tpu.memory_space<hbm>>) target(%arg11 : memref<125x128xf32, #tpu.memory_space<vmem>>) offsets(%dma_start3A_179 : memref<125xi32, #tpu.memory_space<vmem>>) semaphore(%arg17 : memref<!tpu.dma_semaphore, #tpu.memory_space<semaphore_mem>>)
      } else {
      }
      %dma_wait3A_151 = arith.constant 0 : i32
      %dma_wait3A_152 = arith.constant 0 : i32
      %dma_wait3A_153 = tpu.memref_slice %arg10[%dma_wait3A_151, %dma_wait3A_152] : memref<2x125xi32, #tpu.memory_space<vmem>> -> memref<1x125xi32, #tpu.memory_space<vmem>>
      %dma_wait3A_154 = tpu.memref_squeeze %dma_wait3A_153 : memref<1x125xi32, #tpu.memory_space<vmem>> -> memref<125xi32, #tpu.memory_space<vmem>>
      %dma_wait3A_155 = arith.constant 0 : i32
      %dma_wait3A_156 = arith.constant 0 : i32
      %dma_wait3A_157 = tpu.memref_slice %arg2[%dma_wait3A_155, %dma_wait3A_156] : memref<10000x128xf32, #tpu.memory_space<hbm>> -> memref<10000x128xf32, #tpu.memory_space<hbm>>
      tpu.wait_indirect_dma semaphore(%arg18 : memref<!tpu.dma_semaphore, #tpu.memory_space<semaphore_mem>>) src(%dma_wait3A_157 : memref<10000x128xf32, #tpu.memory_space<hbm>>) dst(%arg12 : memref<125x128xf32, #tpu.memory_space<vmem>>)
      %run_scoped3A_158 = arith.constant 1 : i32
      "tpu.region"() ({
        %run_scoped3A_166 = tpu.sem_alloc : memref<!tpu.dma_semaphore, #tpu.memory_space<semaphore_mem>>
        %dma_start3A_167 = arith.constant 0 : i32
        %dma_start3A_168 = tpu.memref_slice %arg10[%run_scoped3A_158, %dma_start3A_167] : memref<2x125xi32, #tpu.memory_space<vmem>> -> memref<1x125xi32, #tpu.memory_space<vmem>>
        %dma_start3A_169 = tpu.memref_squeeze %dma_start3A_168 : memref<1x125xi32, #tpu.memory_space<vmem>> -> memref<125xi32, #tpu.memory_space<vmem>>
        %dma_start3A_170 = arith.constant 0 : i32
        %dma_start3A_171 = arith.constant 0 : i32
        %dma_start3A_172 = tpu.memref_slice %arg6[%dma_start3A_170, %dma_start3A_171] : memref<10240x128xf32, #tpu.memory_space<vmem_shared>> -> memref<10240x128xf32, #tpu.memory_space<vmem_shared>>
        tpu.enqueue_indirect_dma source(%arg12 : memref<125x128xf32, #tpu.memory_space<vmem>>) target(%dma_start3A_172 : memref<10240x128xf32, #tpu.memory_space<vmem_shared>>) offsets(%dma_start3A_169 : memref<125xi32, #tpu.memory_space<vmem>>) semaphore(%run_scoped3A_166 : memref<!tpu.dma_semaphore, #tpu.memory_space<semaphore_mem>>) {add = true}
        %dma_wait3A_173 = arith.constant 0 : i32
        %dma_wait3A_174 = tpu.memref_slice %arg10[%run_scoped3A_158, %dma_wait3A_173] : memref<2x125xi32, #tpu.memory_space<vmem>> -> memref<1x125xi32, #tpu.memory_space<vmem>>
        %dma_wait3A_175 = tpu.memref_squeeze %dma_wait3A_174 : memref<1x125xi32, #tpu.memory_space<vmem>> -> memref<125xi32, #tpu.memory_space<vmem>>
        %dma_wait3A_176 = arith.constant 0 : i32
        %dma_wait3A_177 = arith.constant 0 : i32
        %dma_wait3A_178 = tpu.memref_slice %arg6[%dma_wait3A_176, %dma_wait3A_177] : memref<10240x128xf32, #tpu.memory_space<vmem_shared>> -> memref<10240x128xf32, #tpu.memory_space<vmem_shared>>
        tpu.wait_indirect_dma semaphore(%run_scoped3A_166 : memref<!tpu.dma_semaphore, #tpu.memory_space<semaphore_mem>>) src(%arg12 : memref<125x128xf32, #tpu.memory_space<vmem>>) dst(%dma_wait3A_178 : memref<10240x128xf32, #tpu.memory_space<vmem_shared>>)
        tpu.yield
      }) : () -> ()
      %add3A_159 = arith.constant 7 : i32
      %add3A_160 = arith.addi %mul3A_51, %add3A_159 : i32
      %lt3A_161 = arith.constant 80 : i32
      %lt3A_162 = arith.cmpi slt, %add3A_160, %lt3A_161 : i32
      %convert_element_type3A_163 = arith.extui %lt3A_162 : i1 to i32
      %cond3A_164 = arith.constant 0 : i32
      %cond3A_165 = arith.cmpi ne, %convert_element_type3A_163, %cond3A_164 : i32
      scf.if %cond3A_165 {
        %add3A_166 = arith.constant 7 : i32
        %add3A_167 = arith.addi %mul3A_51, %add3A_166 : i32
        %dma_start3A_168 = arith.constant 0 : i32
        %dma_start3A_169 = arith.constant 0 : i32
        %dma_start3A_170 = tpu.memref_slice %arg3[%add3A, %add3A_167, %dma_start3A_168, %dma_start3A_169] : memref<32x80x2x125xi32, #tpu.memory_space<hbm>> -> memref<1x1x2x125xi32, #tpu.memory_space<hbm>>
        %dma_start3A_171 = tpu.memref_squeeze %dma_start3A_170 : memref<1x1x2x125xi32, #tpu.memory_space<hbm>> -> memref<2x125xi32, #tpu.memory_space<hbm>>
        %dma_start3A_172 = arith.constant 0 : i32
        %dma_start3A_173 = arith.constant 0 : i32
        %dma_start3A_174 = tpu.memref_slice %arg3[%add3A, %add3A_167, %dma_start3A_172, %dma_start3A_173] : memref<32x80x2x125xi32, #tpu.memory_space<hbm>> -> memref<1x1x2x125xi32, #tpu.memory_space<hbm>>
        %dma_start3A_175 = tpu.memref_squeeze %dma_start3A_174 : memref<1x1x2x125xi32, #tpu.memory_space<hbm>> -> memref<2x125xi32, #tpu.memory_space<hbm>>
        tpu.enqueue_dma source(%dma_start3A_175 : memref<2x125xi32, #tpu.memory_space<hbm>>) target(%arg10 : memref<2x125xi32, #tpu.memory_space<vmem>>) target_semaphore(%arg16 : memref<!tpu.dma_semaphore, #tpu.memory_space<semaphore_mem>>)
      } else {
      }
    }
    %scan3A_39 = arith.constant 20 : i32
    %barrier3A_40 = arith.constant 0 : index
    tpu.barrier barrier_id(%barrier3A_40)
    %mul3A_41 = arith.constant 640 : i32
    %mul3A_42 = arith.muli %arg1, %mul3A_41 : i32
    %mul3A_43 = arith.constant 640 : i32
    %mul3A_44 = arith.muli %arg1, %mul3A_43 : i32
    "tpu.region"() ({
      %run_scoped3A_45 = tpu.sem_alloc : memref<!tpu.dma_semaphore, #tpu.memory_space<semaphore_mem>>
      %dma_start3A_46 = arith.constant 0 : i32
      %dma_start3A_47 = tpu.memref_slice %arg5[%arg0, %mul3A_44, %dma_start3A_46] : memref<2x10240x128xf32, #tpu.memory_space<hbm>> -> memref<1x640x128xf32, #tpu.memory_space<hbm>>
      %dma_start3A_48 = tpu.memref_squeeze %dma_start3A_47 : memref<1x640x128xf32, #tpu.memory_space<hbm>> -> memref<640x128xf32, #tpu.memory_space<hbm>>
      %dma_start3A_49 = arith.constant 0 : i32
      %dma_start3A_50 = tpu.memref_slice %arg6[%mul3A_42, %dma_start3A_49] : memref<10240x128xf32, #tpu.memory_space<vmem_shared>> -> memref<640x128xf32, #tpu.memory_space<vmem_shared>>
      tpu.enqueue_dma source(%dma_start3A_50 : memref<640x128xf32, #tpu.memory_space<vmem_shared>>) target(%dma_start3A_48 : memref<640x128xf32, #tpu.memory_space<hbm>>) target_semaphore(%run_scoped3A_45 : memref<!tpu.dma_semaphore, #tpu.memory_space<semaphore_mem>>)
      %dma_wait3A = arith.constant 0 : i32
      %dma_wait3A_51 = tpu.memref_slice %arg5[%arg0, %mul3A_44, %dma_wait3A] : memref<2x10240x128xf32, #tpu.memory_space<hbm>> -> memref<1x640x128xf32, #tpu.memory_space<hbm>>
      %dma_wait3A_52 = tpu.memref_squeeze %dma_wait3A_51 : memref<1x640x128xf32, #tpu.memory_space<hbm>> -> memref<640x128xf32, #tpu.memory_space<hbm>>
      %dma_wait3A_53 = arith.constant 0 : i32
      %dma_wait3A_54 = tpu.memref_slice %arg6[%mul3A_42, %dma_wait3A_53] : memref<10240x128xf32, #tpu.memory_space<vmem_shared>> -> memref<640x128xf32, #tpu.memory_space<vmem_shared>>
      tpu.wait_dma2 semaphore(%run_scoped3A_45 : memref<!tpu.dma_semaphore, #tpu.memory_space<semaphore_mem>>) src(%dma_wait3A_54 : memref<640x128xf32, #tpu.memory_space<vmem_shared>>) dst(%dma_wait3A_52 : memref<640x128xf32, #tpu.memory_space<hbm>>)
      tpu.yield
    }) : () -> ()
    return
  }
}

module attributes {stable_mosaic.version = 14 : i64} {
  func.func @_scale_body(%arg0: i32, %arg1: memref<1000x128xf32, #tpu.memory_space<vmem>>, %arg2: memref<128x128xf32, #tpu.memory_space<vmem>>, %arg3: memref<1x128xf32, #tpu.memory_space<vmem>>, %arg4: memref<128x128xf32, #tpu.memory_space<vmem>>, %arg5: memref<1x1000x16xf32, #tpu.memory_space<vmem>>, %arg6: memref<1x1000x16xf32, #tpu.memory_space<vmem>>, %arg7: memref<1000x128xf32, #tpu.memory_space<vmem>>, %arg8: memref<1000x1xf32, #tpu.memory_space<vmem>>) attributes {dimension_semantics = [#tpu.dimension_semantics<arbitrary>], iteration_bounds = array<i64: 10>, scalar_prefetch = 0 : i64, scratch_operands = 0 : i64, tpu.core_type = #tpu.core_type<tc>, window_params = [{transform_indices = @transform_0, window_bounds = array<i64: 1000, 128>}, {pipeline_mode = #tpu.pipeline_mode<synchronous>, transform_indices = @transform_1, window_bounds = array<i64: 128, 128>}, {pipeline_mode = #tpu.pipeline_mode<synchronous>, transform_indices = @transform_2, window_bounds = array<i64: 1, 128>}, {pipeline_mode = #tpu.pipeline_mode<synchronous>, transform_indices = @transform_3, window_bounds = array<i64: 128, 128>}, {transform_indices = @transform_4, window_bounds = array<i64: 1, 1000, 16>}, {transform_indices = @transform_5, window_bounds = array<i64: 1, 1000, 16>}, {transform_indices = @transform_6, window_bounds = array<i64: 1000, 128>}, {transform_indices = @transform_7, window_bounds = array<i64: 1000, 1>}]} {
    %get3A = arith.constant 0 : index
    %get3A_0 = arith.constant 0 : index
    %get3A_1 = arith.constant 0 : index
    %get3A_2 = vector.load %arg5[%get3A, %get3A_0, %get3A_1] : memref<1x1000x16xf32, #tpu.memory_space<vmem>>, vector<1x1000x1xf32>
    %get3A_3 = vector.shape_cast %get3A_2 : vector<1x1000x1xf32> to vector<1000x1xf32>
    %get3A_4 = arith.constant 0 : index
    %get3A_5 = arith.constant 0 : index
    %get3A_6 = arith.constant 0 : index
    %get3A_7 = vector.load %arg6[%get3A_4, %get3A_5, %get3A_6] : memref<1x1000x16xf32, #tpu.memory_space<vmem>>, vector<1x1000x1xf32>
    %get3A_8 = vector.shape_cast %get3A_7 : vector<1x1000x1xf32> to vector<1000x1xf32>
    %add3A = arith.addf %get3A_3, %get3A_8 : vector<1000x1xf32>
    %add3A_9 = arith.constant 1.000000e+00 : f32
    %add3A_10 = vector.broadcast %add3A_9 : f32 to vector<1000x1xf32>
    %add3A_11 = arith.addf %add3A, %add3A_10 : vector<1000x1xf32>
    %rsqrt3A = math.rsqrt %add3A_11 : vector<1000x1xf32>
    %swap3A = arith.constant 0 : index
    %swap3A_12 = arith.constant 0 : index
    %swap3A_13 = vector.load %arg8[%swap3A, %swap3A_12] : memref<1000x1xf32, #tpu.memory_space<vmem>>, vector<1000x1xf32>
    tpu.vector_store %arg8[%swap3A, %swap3A_12], %rsqrt3A {strides = array<i32>} : memref<1000x1xf32, #tpu.memory_space<vmem>>, vector<1000x1xf32>,
    %get3A_14 = arith.constant 0 : index
    %get3A_15 = arith.constant 0 : index
    %get3A_16 = vector.load %arg1[%get3A_14, %get3A_15] : memref<1000x128xf32, #tpu.memory_space<vmem>>, vector<1000x128xf32>
    %get3A_17 = arith.constant 0 : index
    %get3A_18 = arith.constant 0 : index
    %get3A_19 = vector.load %arg2[%get3A_17, %get3A_18] : memref<128x128xf32, #tpu.memory_space<vmem>>, vector<128x128xf32>
    %dot_general3A = arith.constant dense<0.000000e+00> : vector<1000x128xf32>
    %dot_general3A_20 = tpu.matmul %get3A_16, %get3A_19, %dot_general3A {dimension_numbers = #tpu.dot_dimension_numbers<[1], [0], [0], [1], [0, 0, 1, 1], [], []>, transpose_lhs_hint = false} : vector<1000x128xf32>, vector<128x128xf32>, vector<1000x128xf32> -> vector<1000x128xf32>
    %get3A_21 = arith.constant 0 : index
    %get3A_22 = arith.constant 0 : index
    %get3A_23 = vector.load %arg3[%get3A_21, %get3A_22] : memref<1x128xf32, #tpu.memory_space<vmem>>, vector<1x128xf32>
    %add3A_24 = vector.broadcast %get3A_23 : vector<1x128xf32> to vector<1000x128xf32>
    %add3A_25 = arith.addf %dot_general3A_20, %add3A_24 : vector<1000x128xf32>
    %max3A = arith.constant 0.000000e+00 : f32
    %max3A_26 = vector.broadcast %max3A : f32 to vector<1000x128xf32>
    %max3A_27 = arith.maximumf %add3A_25, %max3A_26 : vector<1000x128xf32>
    %get3A_28 = arith.constant 0 : index
    %get3A_29 = arith.constant 0 : index
    %get3A_30 = vector.load %arg4[%get3A_28, %get3A_29] : memref<128x128xf32, #tpu.memory_space<vmem>>, vector<128x128xf32>
    %dot_general3A_31 = arith.constant dense<0.000000e+00> : vector<1000x128xf32>
    %dot_general3A_32 = tpu.matmul %max3A_27, %get3A_30, %dot_general3A_31 {dimension_numbers = #tpu.dot_dimension_numbers<[1], [0], [0], [1], [0, 0, 1, 1], [], []>, transpose_lhs_hint = false} : vector<1000x128xf32>, vector<128x128xf32>, vector<1000x128xf32> -> vector<1000x128xf32>
    %mul3A = vector.broadcast %rsqrt3A : vector<1000x1xf32> to vector<1000x128xf32>
    %mul3A_33 = arith.mulf %dot_general3A_32, %mul3A : vector<1000x128xf32>
    %swap3A_34 = arith.constant 0 : index
    %swap3A_35 = arith.constant 0 : index
    %swap3A_36 = vector.load %arg7[%swap3A_34, %swap3A_35] : memref<1000x128xf32, #tpu.memory_space<vmem>>, vector<1000x128xf32>
    tpu.vector_store %arg7[%swap3A_34, %swap3A_35], %mul3A_33 {strides = array<i32>} : memref<1000x128xf32, #tpu.memory_space<vmem>>, vector<1000x128xf32>,
    return
  }
  func.func @transform_0(%arg0: i32) -> (i32, i32) {
    %c0_i32 = arith.constant 0 : i32
    %c0_i32_0 = arith.constant 0 : i32
    return %arg0, %c0_i32 : i32, i32
  }
  func.func @transform_1(%arg0: i32) -> (i32, i32) {
    %c0_i32 = arith.constant 0 : i32
    %c0_i32_0 = arith.constant 0 : i32
    %c0_i32_1 = arith.constant 0 : i32
    return %c0_i32, %c0_i32_0 : i32, i32
  }
  func.func @transform_2(%arg0: i32) -> (i32, i32) {
    %c0_i32 = arith.constant 0 : i32
    %c0_i32_0 = arith.constant 0 : i32
    %c0_i32_1 = arith.constant 0 : i32
    return %c0_i32, %c0_i32_0 : i32, i32
  }
  func.func @transform_3(%arg0: i32) -> (i32, i32) {
    %c0_i32 = arith.constant 0 : i32
    %c0_i32_0 = arith.constant 0 : i32
    %c0_i32_1 = arith.constant 0 : i32
    return %c0_i32, %c0_i32_0 : i32, i32
  }
  func.func @transform_4(%arg0: i32) -> (i32, i32, i32) {
    %c0_i32 = arith.constant 0 : i32
    %c0_i32_0 = arith.constant 0 : i32
    %c0_i32_1 = arith.constant 0 : i32
    return %c0_i32, %arg0, %c0_i32_0 : i32, i32, i32
  }
  func.func @transform_5(%arg0: i32) -> (i32, i32, i32) {
    %c1_i32 = arith.constant 1 : i32
    %c0_i32 = arith.constant 0 : i32
    %c0_i32_0 = arith.constant 0 : i32
    return %c1_i32, %arg0, %c0_i32 : i32, i32, i32
  }
  func.func @transform_6(%arg0: i32) -> (i32, i32) {
    %c0_i32 = arith.constant 0 : i32
    %c0_i32_0 = arith.constant 0 : i32
    return %arg0, %c0_i32 : i32, i32
  }
  func.func @transform_7(%arg0: i32) -> (i32, i32) {
    %c0_i32 = arith.constant 0 : i32
    %c0_i32_0 = arith.constant 0 : i32
    return %arg0, %c0_i32 : i32, i32
  }
}

module attributes {stable_mosaic.version = 14 : i64} {
  func.func @_mid_body(%arg0: i32, %arg1: memref<1x1000x128xf32, #tpu.memory_space<vmem>>, %arg2: memref<1x1000x128xf32, #tpu.memory_space<vmem>>, %arg3: memref<1000x128xf32, #tpu.memory_space<vmem>>, %arg4: memref<1000x1xf32, #tpu.memory_space<vmem>>, %arg5: memref<1x128xf32, #tpu.memory_space<vmem>>, %arg6: memref<128x128xf32, #tpu.memory_space<vmem>>, %arg7: memref<1000x128xf32, #tpu.memory_space<vmem>>) attributes {dimension_semantics = [#tpu.dimension_semantics<arbitrary>], iteration_bounds = array<i64: 10>, scalar_prefetch = 0 : i64, scratch_operands = 0 : i64, tpu.core_type = #tpu.core_type<tc>, window_params = [{transform_indices = @transform_0, window_bounds = array<i64: 1, 1000, 128>}, {transform_indices = @transform_1, window_bounds = array<i64: 1, 1000, 128>}, {transform_indices = @transform_2, window_bounds = array<i64: 1000, 128>}, {transform_indices = @transform_3, window_bounds = array<i64: 1000, 1>}, {pipeline_mode = #tpu.pipeline_mode<synchronous>, transform_indices = @transform_4, window_bounds = array<i64: 1, 128>}, {pipeline_mode = #tpu.pipeline_mode<synchronous>, transform_indices = @transform_5, window_bounds = array<i64: 128, 128>}, {transform_indices = @transform_6, window_bounds = array<i64: 1000, 128>}]} {
    %get3A = arith.constant 0 : index
    %get3A_0 = arith.constant 0 : index
    %get3A_1 = vector.load %arg4[%get3A, %get3A_0] : memref<1000x1xf32, #tpu.memory_space<vmem>>, vector<1000x1xf32>
    %get3A_2 = arith.constant 0 : index
    %get3A_3 = arith.constant 0 : index
    %get3A_4 = arith.constant 0 : index
    %get3A_5 = vector.load %arg1[%get3A_2, %get3A_3, %get3A_4] : memref<1x1000x128xf32, #tpu.memory_space<vmem>>, vector<1x1000x128xf32>
    %get3A_6 = vector.shape_cast %get3A_5 : vector<1x1000x128xf32> to vector<1000x128xf32>
    %get3A_7 = arith.constant 0 : index
    %get3A_8 = arith.constant 0 : index
    %get3A_9 = arith.constant 0 : index
    %get3A_10 = vector.load %arg2[%get3A_7, %get3A_8, %get3A_9] : memref<1x1000x128xf32, #tpu.memory_space<vmem>>, vector<1x1000x128xf32>
    %get3A_11 = vector.shape_cast %get3A_10 : vector<1x1000x128xf32> to vector<1000x128xf32>
    %add3A = arith.addf %get3A_6, %get3A_11 : vector<1000x128xf32>
    %get3A_12 = arith.constant 0 : index
    %get3A_13 = arith.constant 0 : index
    %get3A_14 = vector.load %arg3[%get3A_12, %get3A_13] : memref<1000x128xf32, #tpu.memory_space<vmem>>, vector<1000x128xf32>
    %add3A_15 = arith.addf %add3A, %get3A_14 : vector<1000x128xf32>
    %mul3A = vector.broadcast %get3A_1 : vector<1000x1xf32> to vector<1000x128xf32>
    %mul3A_16 = arith.mulf %add3A_15, %mul3A : vector<1000x128xf32>
    %get3A_17 = arith.constant 0 : index
    %get3A_18 = arith.constant 0 : index
    %get3A_19 = vector.load %arg5[%get3A_17, %get3A_18] : memref<1x128xf32, #tpu.memory_space<vmem>>, vector<1x128xf32>
    %add3A_20 = vector.broadcast %get3A_19 : vector<1x128xf32> to vector<1000x128xf32>
    %add3A_21 = arith.addf %mul3A_16, %add3A_20 : vector<1000x128xf32>
    %max3A = arith.constant 0.000000e+00 : f32
    %max3A_22 = vector.broadcast %max3A : f32 to vector<1000x128xf32>
    %max3A_23 = arith.maximumf %add3A_21, %max3A_22 : vector<1000x128xf32>
    %get3A_24 = arith.constant 0 : index
    %get3A_25 = arith.constant 0 : index
    %get3A_26 = vector.load %arg6[%get3A_24, %get3A_25] : memref<128x128xf32, #tpu.memory_space<vmem>>, vector<128x128xf32>
    %dot_general3A = arith.constant dense<0.000000e+00> : vector<1000x128xf32>
    %dot_general3A_27 = tpu.matmul %max3A_23, %get3A_26, %dot_general3A {dimension_numbers = #tpu.dot_dimension_numbers<[1], [0], [0], [1], [0, 0, 1, 1], [], []>, transpose_lhs_hint = false} : vector<1000x128xf32>, vector<128x128xf32>, vector<1000x128xf32> -> vector<1000x128xf32>
    %mul3A_28 = vector.broadcast %get3A_1 : vector<1000x1xf32> to vector<1000x128xf32>
    %mul3A_29 = arith.mulf %dot_general3A_27, %mul3A_28 : vector<1000x128xf32>
    %swap3A = arith.constant 0 : index
    %swap3A_30 = arith.constant 0 : index
    %swap3A_31 = vector.load %arg7[%swap3A, %swap3A_30] : memref<1000x128xf32, #tpu.memory_space<vmem>>, vector<1000x128xf32>
    tpu.vector_store %arg7[%swap3A, %swap3A_30], %mul3A_29 {strides = array<i32>} : memref<1000x128xf32, #tpu.memory_space<vmem>>, vector<1000x128xf32>,
    return
  }
  func.func @transform_0(%arg0: i32) -> (i32, i32, i32) {
    %c0_i32 = arith.constant 0 : i32
    %c0_i32_0 = arith.constant 0 : i32
    %c0_i32_1 = arith.constant 0 : i32
    return %c0_i32, %arg0, %c0_i32_0 : i32, i32, i32
  }
  func.func @transform_1(%arg0: i32) -> (i32, i32, i32) {
    %c1_i32 = arith.constant 1 : i32
    %c0_i32 = arith.constant 0 : i32
    %c0_i32_0 = arith.constant 0 : i32
    return %c1_i32, %arg0, %c0_i32 : i32, i32, i32
  }
  func.func @transform_2(%arg0: i32) -> (i32, i32) {
    %c0_i32 = arith.constant 0 : i32
    %c0_i32_0 = arith.constant 0 : i32
    return %arg0, %c0_i32 : i32, i32
  }
  func.func @transform_3(%arg0: i32) -> (i32, i32) {
    %c0_i32 = arith.constant 0 : i32
    %c0_i32_0 = arith.constant 0 : i32
    return %arg0, %c0_i32 : i32, i32
  }
  func.func @transform_4(%arg0: i32) -> (i32, i32) {
    %c0_i32 = arith.constant 0 : i32
    %c0_i32_0 = arith.constant 0 : i32
    %c0_i32_1 = arith.constant 0 : i32
    return %c0_i32, %c0_i32_0 : i32, i32
  }
  func.func @transform_5(%arg0: i32) -> (i32, i32) {
    %c0_i32 = arith.constant 0 : i32
    %c0_i32_0 = arith.constant 0 : i32
    %c0_i32_1 = arith.constant 0 : i32
    return %c0_i32, %c0_i32_0 : i32, i32
  }
  func.func @transform_6(%arg0: i32) -> (i32, i32) {
    %c0_i32 = arith.constant 0 : i32
    %c0_i32_0 = arith.constant 0 : i32
    return %arg0, %c0_i32 : i32, i32
  }
}

module attributes {stable_mosaic.version = 14 : i64} {
  func.func @_fin_body(%arg0: i32, %arg1: memref<1x1000x128xf32, #tpu.memory_space<vmem>>, %arg2: memref<1x1000x128xf32, #tpu.memory_space<vmem>>, %arg3: memref<1000x128xf32, #tpu.memory_space<vmem>>, %arg4: memref<1000x1xf32, #tpu.memory_space<vmem>>, %arg5: memref<1x128xf32, #tpu.memory_space<vmem>>, %arg6: memref<1000x128xf32, #tpu.memory_space<vmem>>) attributes {dimension_semantics = [#tpu.dimension_semantics<arbitrary>], iteration_bounds = array<i64: 10>, scalar_prefetch = 0 : i64, scratch_operands = 0 : i64, tpu.core_type = #tpu.core_type<tc>, window_params = [{transform_indices = @transform_0, window_bounds = array<i64: 1, 1000, 128>}, {transform_indices = @transform_1, window_bounds = array<i64: 1, 1000, 128>}, {transform_indices = @transform_2, window_bounds = array<i64: 1000, 128>}, {transform_indices = @transform_3, window_bounds = array<i64: 1000, 1>}, {pipeline_mode = #tpu.pipeline_mode<synchronous>, transform_indices = @transform_4, window_bounds = array<i64: 1, 128>}, {transform_indices = @transform_5, window_bounds = array<i64: 1000, 128>}]} {
    %get3A = arith.constant 0 : index
    %get3A_0 = arith.constant 0 : index
    %get3A_1 = arith.constant 0 : index
    %get3A_2 = vector.load %arg1[%get3A, %get3A_0, %get3A_1] : memref<1x1000x128xf32, #tpu.memory_space<vmem>>, vector<1x1000x128xf32>
    %get3A_3 = vector.shape_cast %get3A_2 : vector<1x1000x128xf32> to vector<1000x128xf32>
    %get3A_4 = arith.constant 0 : index
    %get3A_5 = arith.constant 0 : index
    %get3A_6 = arith.constant 0 : index
    %get3A_7 = vector.load %arg2[%get3A_4, %get3A_5, %get3A_6] : memref<1x1000x128xf32, #tpu.memory_space<vmem>>, vector<1x1000x128xf32>
    %get3A_8 = vector.shape_cast %get3A_7 : vector<1x1000x128xf32> to vector<1000x128xf32>
    %add3A = arith.addf %get3A_3, %get3A_8 : vector<1000x128xf32>
    %get3A_9 = arith.constant 0 : index
    %get3A_10 = arith.constant 0 : index
    %get3A_11 = vector.load %arg3[%get3A_9, %get3A_10] : memref<1000x128xf32, #tpu.memory_space<vmem>>, vector<1000x128xf32>
    %add3A_12 = arith.addf %add3A, %get3A_11 : vector<1000x128xf32>
    %get3A_13 = arith.constant 0 : index
    %get3A_14 = arith.constant 0 : index
    %get3A_15 = vector.load %arg4[%get3A_13, %get3A_14] : memref<1000x1xf32, #tpu.memory_space<vmem>>, vector<1000x1xf32>
    %mul3A = vector.broadcast %get3A_15 : vector<1000x1xf32> to vector<1000x128xf32>
    %mul3A_16 = arith.mulf %add3A_12, %mul3A : vector<1000x128xf32>
    %get3A_17 = arith.constant 0 : index
    %get3A_18 = arith.constant 0 : index
    %get3A_19 = vector.load %arg5[%get3A_17, %get3A_18] : memref<1x128xf32, #tpu.memory_space<vmem>>, vector<1x128xf32>
    %add3A_20 = vector.broadcast %get3A_19 : vector<1x128xf32> to vector<1000x128xf32>
    %add3A_21 = arith.addf %mul3A_16, %add3A_20 : vector<1000x128xf32>
    %max3A = arith.constant 0.000000e+00 : f32
    %max3A_22 = vector.broadcast %max3A : f32 to vector<1000x128xf32>
    %max3A_23 = arith.maximumf %add3A_21, %max3A_22 : vector<1000x128xf32>
    %swap3A = arith.constant 0 : index
    %swap3A_24 = arith.constant 0 : index
    %swap3A_25 = vector.load %arg6[%swap3A, %swap3A_24] : memref<1000x128xf32, #tpu.memory_space<vmem>>, vector<1000x128xf32>
    tpu.vector_store %arg6[%swap3A, %swap3A_24], %max3A_23 {strides = array<i32>} : memref<1000x128xf32, #tpu.memory_space<vmem>>, vector<1000x128xf32>,
    return
  }
  func.func @transform_0(%arg0: i32) -> (i32, i32, i32) {
    %c0_i32 = arith.constant 0 : i32
    %c0_i32_0 = arith.constant 0 : i32
    %c0_i32_1 = arith.constant 0 : i32
    return %c0_i32, %arg0, %c0_i32_0 : i32, i32, i32
  }
  func.func @transform_1(%arg0: i32) -> (i32, i32, i32) {
    %c1_i32 = arith.constant 1 : i32
    %c0_i32 = arith.constant 0 : i32
    %c0_i32_0 = arith.constant 0 : i32
    return %c1_i32, %arg0, %c0_i32 : i32, i32, i32
  }
  func.func @transform_2(%arg0: i32) -> (i32, i32) {
    %c0_i32 = arith.constant 0 : i32
    %c0_i32_0 = arith.constant 0 : i32
    return %arg0, %c0_i32 : i32, i32
  }
  func.func @transform_3(%arg0: i32) -> (i32, i32) {
    %c0_i32 = arith.constant 0 : i32
    %c0_i32_0 = arith.constant 0 : i32
    return %arg0, %c0_i32 : i32, i32
  }
  func.func @transform_4(%arg0: i32) -> (i32, i32) {
    %c0_i32 = arith.constant 0 : i32
    %c0_i32_0 = arith.constant 0 : i32
    %c0_i32_1 = arith.constant 0 : i32
    return %c0_i32, %c0_i32_0 : i32, i32
  }
  func.func @transform_5(%arg0: i32) -> (i32, i32) {
    %c0_i32 = arith.constant 0 : i32
    %c0_i32_0 = arith.constant 0 : i32
    return %arg0, %c0_i32 : i32, i32
  }
}

</mosaic_0001>

<sc_bundles>
// kernel: kernel.11.cloned.1.call-start
scs
__scs_entry_jumppad:
0x0: {  	(pc) =	sbr.rel $0x88, $3  }
0x1: {  	(tag) =	ssettag $0x0;
	lr =	simm.s32 $0x1  }
0x2: {  	[smem:$0x3F99] =	sst lr;
	_ =	strace $0xD0000000  }
0x3: {  	_ = 	snop  }
0x4: {  	_ = 	snop  }
0x5: {  	_ = 	snop  }
0x6: {  	_ = 	snop  }
0x7: {  	_ = 	snop  }
__scs_overlays_trampoline_lowered:
0x8: {  	[smem:$0x3FA8] =	sst s0  }
0x9: {  	[smem:$0x3FA9] =	sst s1  }
0xa: {  	[smem:$0x3FAA] =	sst s2  }
0xb: {  	[smem:$0x3FAB] =	sst s3  }
0xc: {  	[smem:$0x3FAC] =	sst s4  }
0xd: {  	[smem:$0x3FAD] =	sst s5  }
0xe: {  	[smem:$0x3FAE] =	sst s6  }
0xf: {  	[smem:$0x3FAF] =	sst s7  }
0x10: {  	[smem:$0x3FB0] =	sst s8  }
0x11: {  	[smem:$0x3FB1] =	sst s9;
	s0 =	simm.s32 @!p0 $0x0  }
0x12: {  	s1 =	sld [smem:$0x3F97];
	s0 =	simm.s32 @p0 $0x1  }
0x13: {  	[smem:$0x3FB2] =	sst s0;
	s0 =	simm.s32 @!p1 $0x0  }
0x14: {  	s2 =	sld [smem:$0x3F96];
	s0 =	simm.s32 @p1 $0x1  }
0x15: {  	[smem:$0x3FB3] =	sst s0;
	s0 =	simm.s32 @!p2 $0x0  }
0x16: {  	s3 =	sld [smem:$0x3FDB];
	s0 =	simm.s32 @p2 $0x1  }
0x17: {  	s4 =	simm.s32 $0x1BF5;
	[smem:$0x3FB5] =	sst s0  }
0x18: {  	s0 =	sld [smem:$0x3F98];
	_ =	swait.ge [sflag:s4], $0x0  }
0x19: {  	s7 =	sld [smem:$0x3F99]  }
0x1a: {  	s8 =	sadd.s32 $0xFFFFE003, lr  }
0x1b: {  	s9 =	sadd.s32 $0xFFFFFEF7, lr;
	s5 =	simm.s32 $0xFFFFFFFF;
	p2 =	slt.u32 s8, $0xFFFFF086  }
0x1c: {  	p1 =	slt.u32 s9, $0xF7A;
	s5 =	simm.s32 @!p2 $0x0  }
0x1d: {  	s5 =	simm.s32 @p1 $0x1;
	p0 =	seq.s32 s7, s2  }
0x1e: {  	s7 =	smul.u32 @!p0 $0xF7A, s2;
	p2 =	seq.s32 @!p0 s5, $0x0  }
0x1f: {  	s9 =	smul.u32 $0xF7A, s1;
	s8 =	simm.s32 @!p0 $0x1BF5;
	p2 =	por !p2, p0  }
0x20: {  	[sflag:s8] =	ssyncset.s32 @!p0 $0xFFFFF086;
	s6 =	sadd.s32 @!p0 s3, s7;
	s7 =	simm.s32 @!p0 $0x108  }
0x21: {  	s3 =	sadd.s32 s3, s9;
	s6 =	sadd.s32 @!p0 $0x88, s6;
	s7 =	simm.s32 @p2 $0x1082  }
0x22: {  	[simem:s7], [sflag:s8] =	dma.local @!p0 [hbm:s6], $0xF7A  }
0x23: {  	s9 =	sor.u32 $0xD0000000, s2;
	s6 =	simm.s32 $0x108;
	_ =	swait.ge @!p0 [sflag:s8], $0x0  }
0x24: {  	s3 =	sadd.s32 $0x88, s3;
	s6 =	simm.s32 @!p1 $0x1082;
	[sflag:s4] =	ssyncset.s32 $0xFFFFF086  }
0x25: {  	[simem:s6], [sflag:s4] =	dma.local [hbm:s3], $0xF7A  }
0x26: {  	[smem:$0x3F99] =	sst s1;
	(tag) =	ssettag s2;
	_ =	strace s9  }
0x27: {  	s1 =	sld [smem:$0x3FA9]  }
0x28: {  	s2 =	sld [smem:$0x3FAA]  }
0x29: {  	s4 =	sld [smem:$0x3FAC]  }
0x2a: {  	p0 =	seq.s32 s5, $0x0;
	s5 =	sld [smem:$0x3FAD]  }
0x2b: {  	s6 =	sld [smem:$0x3FAE]  }
0x2c: {  	s7 =	sld [smem:$0x3FAF]  }
0x2d: {  	s3 =	simm.s32 $0x108;
	s8 =	sld [smem:$0x3FB0]  }
0x2e: {  	s3 =	simm.s32 @!p0 $0x1082;
	s9 =	sld [smem:$0x3FB1]  }
0x2f: {  	lr =	sadd.s32 s0, s3;
	s0 =	sld [smem:$0x3FA8]  }
0x30: {  	s3 =	sld [smem:$0x3FAB]  }
0x31: {  	[smem:$0x3FB4] =	sst s10  }
0x32: {  	s10 =	sld [smem:$0x3FB2];
	_ =	sdelay $0x3  }
0x33: {  	p0 =	seq.s32 s10, $0x1;
	s10 =	sld [smem:$0x3FB4];
	_ =	sdelay $0x3  }
0x34: {  	[smem:$0x3FB4] =	sst s10  }
0x35: {  	s10 =	sld [smem:$0x3FB3];
	_ =	sdelay $0x3  }
0x36: {  	p1 =	seq.s32 s10, $0x1;
	s10 =	sld [smem:$0x3FB4];
	_ =	sdelay $0x3  }
0x37: {  	[smem:$0x3FB4] =	sst s10  }
0x38: {  	s10 =	sld [smem:$0x3FB5]  }
0x39: {  	_ = 	snop;
	(pc) =	sbr.ind lr, $3  }
0x3a: {  	_ = 	snop  }
0x3b: {  	_ = 	snop  }
0x3c: {  	p2 =	seq.s32 s10, $0x1;
	s10 =	sld [smem:$0x3FB4]  }
0x3d: {  	_ =	shalt  }
0x3e: {  	_ =	shalt  }
0x3f: {  	_ =	shalt  }
0x40: {  	_ =	shalt  }
0x41: {  	_ =	shalt  }
0x42: {  	_ =	shalt  }
0x43: {  	_ =	shalt  }
0x44: {  	_ =	shalt  }
0x45: {  	_ =	shalt  }
0x46: {  	_ =	shalt  }
0x47: {  	_ =	shalt  }
0x48: {  	_ =	shalt  }
0x49: {  	_ =	shalt  }
0x4a: {  	_ =	shalt  }
0x4b: {  	_ =	shalt  }
0x4c: {  	_ =	shalt  }
0x4d: {  	_ =	shalt  }
0x4e: {  	_ =	shalt  }
0x4f: {  	_ =	shalt  }
0x50: {  	_ =	shalt  }
0x51: {  	_ =	shalt  }
0x52: {  	_ =	shalt  }
0x53: {  	_ =	shalt  }
0x54: {  	_ =	shalt  }
0x55: {  	_ =	shalt  }
0x56: {  	_ =	shalt  }
0x57: {  	_ =	shalt  }
0x58: {  	_ =	shalt  }
0x59: {  	_ =	shalt  }
0x5a: {  	_ =	shalt  }
0x5b: {  	_ =	shalt  }
0x5c: {  	_ =	shalt  }
0x5d: {  	_ =	shalt  }
0x5e: {  	_ =	shalt  }
0x5f: {  	_ =	shalt  }
0x60: {  	_ =	shalt  }
0x61: {  	_ =	shalt  }
0x62: {  	_ =	shalt  }
0x63: {  	_ =	shalt  }
0x64: {  	_ =	shalt  }
0x65: {  	_ =	shalt  }
0x66: {  	_ =	shalt  }
0x67: {  	_ =	shalt  }
0x68: {  	_ =	shalt  }
0x69: {  	_ =	shalt  }
0x6a: {  	_ =	shalt  }
0x6b: {  	_ =	shalt  }
0x6c: {  	_ =	shalt  }
0x6d: {  	_ =	shalt  }
0x6e: {  	_ =	shalt  }
0x6f: {  	_ =	shalt  }
0x70: {  	_ =	shalt  }
0x71: {  	_ =	shalt  }
0x72: {  	_ =	shalt  }
0x73: {  	_ =	shalt  }
0x74: {  	_ =	shalt  }
0x75: {  	_ =	shalt  }
0x76: {  	_ =	shalt  }
0x77: {  	_ =	shalt  }
0x78: {  	_ =	shalt  }
0x79: {  	_ =	shalt  }
0x7a: {  	_ =	shalt  }
0x7b: {  	_ =	shalt  }
0x7c: {  	_ =	shalt  }
0x7d: {  	_ =	shalt  }
0x7e: {  	_ =	shalt  }
0x7f: {  	_ =	shalt  }
0x80: {  	_ =	shalt  }
0x81: {  	_ =	shalt  }
0x82: {  	_ =	shalt  }
0x83: {  	_ =	shalt  }
0x84: {  	_ =	shalt  }
0x85: {  	_ =	shalt  }
0x86: {  	_ =	shalt  }
0x87: {  	_ =	shalt  }
.Lfunc_end0:
.L_simem_size_0:
called_computation.1_lowered:
.L_overlay_start_0:
0x88: {  	s2 =	sld [smem:$0x3FD9]  }
0x89: {  	s3 =	sld [smem:$0x3FFE];
	_ =	sdelay $0x1  }
0x8a: {  	s1 =	srdreg.scid  }
0x8b: {  	s0 =	sand.u32 $0x1, s1  }
0x8c: {  	s17 =	sshll.u32 s0, $0xA;
	s2 =	sadd.s32 s3, s2  }
0x8d: {  	s2 =	sadd.s32 s2, s17  }
0x8e: {  	[smem:$0x3FC0] =	sst s2  }
0x8f: {  	_ = 	snop  }
0x90: {  	s2 =	sld [smem:$0x3FD0];
	(tm) =	ssettm $0x1  }
0x91: {  	s18 =	sld [smem:$0x3FFB];
	_ =	sdelay $0x3  }
0x92: {  	_ =	strace s18  }
0x93: {  	s3 =	sld [smem:$0x3FFC];
	_ =	sdelay $0x3  }
0x94: {  	_ =	strace s3  }
0x95: {  	s3 =	sld [smem:$0x3FFD];
	_ =	sdelay $0x3  }
0x96: {  	_ =	strace s3  }
0x97: {  	_ =	strace $0x8FFFFFFF  }
0x98: {  	s19 =	sld [smem:$0x3FDB];
	_ =	sdelay $0x1  }
0x99: {  	s4 =	simm.s32 $_scs_section_size  }
0x9a: {  	s5 =	simm.s32 $_size__tile_overlayer_lowered;
	s6 =	simm.s32 $_tile_overlayer_lowered  }
0x9b: {  	s22 =	simm.s32 $0x1BFF;
	s21 =	sshll.u32 s6, $0x1;
	s3 =	sadd.s32 s4, s19  }
0x9c: {  	s7 =	simm.s32 $0x0;
	s20 =	sshll.u32 s5, $0x1;
	s5 =	sadd.s32 s21, s3  }
0x9d: {  	[timem:s7], [sflag:s22] =	dma.local [hbm:s5], s20  }
0x9e: {  	_ =	swait.ge [sflag:s22], s20  }
0x9f: {  	s4 =	ssub.s32 $0x0, s20;
	[sflag:s22] =	ssyncset.done $0x0  }
0xa0: {  	[sflag:s22] =	ssyncadd.s32 s4;
	_ =	sdelay $0x1  }
0xa1: {  	s23 =	simm.s32 $0x1B8B  }
0xa2: {  	_ =	swait.ge [sflag:s23], $0x1  }
0xa3: {  	[sflag:s23] =	ssyncset.done $0x0  }
0xa4: {  	s25 =	simm.s32 $0x1B8E;
	s24 =	sld [smem:$0x3FFE];
	[sflag:s23] =	ssyncadd.s32 $0xFFFFFFFF  }
0xa5: {  	s26 =	simm.s32 $execute0_lowered;
	[smem:$0x3FD2] =	sst s25  }
0xa6: {  	s5 =	sshll.u32 s26, $0x1;
	_ =	strace $0x80000049;
	[dreg:$0x1] =	wrdreg $0xFFFFFFFF  }
0xa7: {  	s28 =	simm.s32 $_size_execute0_lowered;
	s3 =	sadd.s32 s3, s5;
	[dreg:$0x0] =	wrdreg $0x0  }
0xa8: {  	s5 =	sshll.u32 s28, $0x1;
	[dreg:$0x2] =	wrdreg s3  }
0xa9: {  	[dreg:$0x3] =	wrdreg s5  }
0xaa: {  	[dreg:$0x4] =	wrdreg $0xC0  }
0xab: {  	_ =	task [dreg:s7], $0x5FFFF  }
0xac: {  	[dreg:$0x1] =	wrdreg $0xFFFFFFFF  }
0xad: {  	[dreg:$0x0] =	wrdreg $0x60  }
0xae: {  	[dreg:$0x2] =	wrdreg s2  }
0xaf: {  	[dreg:$0x3] =	wrdreg s24  }
0xb0: {  	[dreg:$0x4] =	wrdreg $0x0  }
0xb1: {  	[dreg:$0x5] =	wrdreg $0x9  }
0xb2: {  	_ =	task.clear_ibuf [dreg:s7], $0x6FFFF;
	_ =	strace $0x90000049  }
0xb3: {  	s29 =	simm.s32 $0x9;
	_ =	strace $0x8000004B  }
0xb4: {  	_ =	swait.ge [sflag:s29], $0x1  }
0xb5: {  	[sflag:s29] =	ssyncadd.s32 $0xFFFFFFFF  }
0xb6: {  	_ =	strace $0x9000004B  }
0xb7: {  	_ =	sfence  }
0xb8: {  	s30 =	sld [smem:$0x0];
	_ =	sdelay $0x2  }
0xb9: {  	s31 =	sshll.u32 s1, $0xD;
	s1 =	sshrl.u32 s1, $0x2  }
0xba: {  	s3 =	sand.u32 $0x4000, s31;
	s1 =	sadd.s32 s1, s30  }
0xbb: {  	s0 =	sor.u32 s3, s0;
	s1 =	sshll.u32 s1, $0x11  }
0xbc: {  	s0 =	sor.u32 s1, s0  }
0xbd: {  	s0 =	sadd.s32 $0x8F2B, s0  }
0xbe: {  	[sflag:s0] =	ssyncadd.remote.s32 $0x1  }
0xbf: {  	_ =	sfence.sel $0xFFFF  }
0xc0: {  	[dreg:$0x0] =	wrdreg $0xFFFFFFFF;
	(pc) =	sbr.abs _section_cstart, $3  }
0xc1: {  	[dreg:$0x1] =	wrdreg $0xFFFFFFFF  }
0xc2: {  	_ =	task.clear_ibuf [dreg:s7], $0x2FFFF;
	_ =	strace $0x9FFFFFFF  }
0xc3: {  	(tm) =	ssettm $0x7FFFFFFF  }
tec
execute0_lowered:
.L_overlay_start_1:
0x0: {  	(tag) =	ssettag $0x1  }
0x1: {  	s1 =	rddreg [dreg:$0x0]  }
0x2: {  	s0 =	rddreg [dreg:$0x1]  }
0x3: {  	s2 =	rddreg [dreg:$0x2]  }
0x4: {  	s3 =	srdreg.scid;
	s4 =	simm.s32 $0x0;
	s11 =	stileid.u32  }
0x5: {  	s28 =	simm.s32 $0x5;
	s29 =	simm.s32 $0x14080;
	s30 =	simm.s32 $0x3  }
0x6: {  	s31 =	simm.s32 $0x6;
	s3 =	sand.u32 $0x1, s3;
	s6 =	smul.u32 $0x14000, s11  }
0x7: {  	[smem:$0x7FF] =	sst s4;
	s8 =	sadd.s32 $0xD200, s0;
	s9 =	smul.u32 $0x50000, s11  }
0x8: {  	s7 =	sadd.s32 $0x2A00, s0;
	s13 =	sshll.u32 s11, $0x1;
	s16 =	smul.u32 $0xA000, s11  }
0x9: {  	s18 =	sshll.u32 s11, $0x6;
	s5 =	smul.u32 $0x140000, s3;
	_ =	strace $0x8000004A  }
0xa: {  	[dreg:$0x4] =	wrdreg s7;
	s14 =	ssub.s32 $0x2, s3;
	s7 =	sor.u32 $0x1C07, s18  }
0xb: {  	s18 =	simm.s32 $0x7;
	s10 =	sshrl.u32 s14, $0x1;
	s17 =	sshrl.u32 s9, $0x2  }
0xc: {  	s5 =	sadd.s32 s6, s5;
	s6 =	sor.u32 s3, s13;
	s15 =	ssub.s32 s14, s10  }
0xd: {  	s3 =	smul.u32 $0x5000, s3;
	s9 =	sadd.s32 s17, s2;
	s10 =	simm.s32 $0x0  }
0xe: {  	s5 =	sshrl.u32 s5, $0x3;
	s6 =	smul.u32 $0x5000, s6;
	s22 =	smax.u32 s15, $0x1  }
0xf: {  	s11 =	sshrl.u32 s9, $0x3;
	s9 =	simm.s32 $0x1;
	s0 =	sadd.s32 s5, s0  }
0x10: {  	s3 =	sadd.s32 s3, s16;
	[dreg:$0xa] =	wrdreg s22;
	s22 =	simm.s32 $0x14100  }
0x11: {  	[dreg:$0xb] =	wrdreg s11;
	s6 =	sshrl.u32 s6, $0x3;
	s21 =	sor.u32 $0x700, s3  }
0x12: {  	s0 =	sadd.s32 $0x21200, s0;
	s24 =	sor.u32 $0x600, s3;
	s25 =	sor.u32 $0x500, s3  }
0x13: {  	s3 =	sor.u32 $0x400, s3;
	s6 =	sadd.s32 s8, s6;
	[dreg:$0x9] =	wrdreg s0  }
0x14: {  	s23 =	sshrl.u32 s21, $0x3;
	s0 =	sshrl.u32 s24, $0x3;
	s5 =	sshrl.u32 s25, $0x3  }
0x15: {  	s26 =	sshrl.u32 s3, $0x3;
	s21 =	simm.s32 $0x14400;
	s24 =	simm.s32 $0x14300  }
0x16: {  	s25 =	simm.s32 $0x2;
	s3 =	simm.s32 $0x4;
	s19 =	sadd.s32 $0x20, s6  }
0x17: {  	s20 =	sadd.s32 $0x40, s6;
	[dreg:$0x5] =	wrdreg s6;
	s6 =	sadd.s32 $0x60, s6  }
.Ltmp0:
0x18: {  	s13 =	sadd.s32 s23, s8;
	s14 =	sadd.s32 s0, s8;
	(pc) =	sbr.rel .LBB2_1-.Ltmp0, $4  }
0x19: {  	s15 =	sadd.s32 s5, s8;
	s16 =	sadd.s32 s26, s8;
	s23 =	simm.s32 $0x14200  }
0x1a: {  	s26 =	simm.s32 $0x18400;
	s0 =	simm.s32 $0x14180;
	[dreg:$0x6] =	wrdreg s19  }
0x1b: {  	s5 =	simm.s32 $0x14280;
	s8 =	simm.s32 $0x14380;
	[dreg:$0x7] =	wrdreg s20  }
0x1c: {  	[dreg:$0x8] =	wrdreg s6;
	s19 =	simm.s32 $0x14000;
	s20 =	simm.s32 $0x7D  }
.LBB2_4:
0x1d: {  	_ =	swait.ge [sflag:s31], $0x3E80  }
0x1e: {  	[sflag:s31] =	ssyncset.done $0x0  }
0x1f: {  	[sflag:s31] =	ssyncadd.s32 $0xFFFFC180  }
0x20: {  	[spmem:s2] =	stream.indirect.scatter.add.f32 [tilespmem:s26], [sflag:$0x7], $0x80, s8, s20, $0xb8;
	[tilespmem:$0x1C400] =	vst v63  }
0x21: {  	_ =	swait.ge [sflag:s18], $0x3E80  }
0x22: {  	[sflag:s18] =	ssyncset.done $0x0  }
0x23: {  	[sflag:s18] =	ssyncadd.s32 $0xFFFFC180  }
0x24: {  	[bflag:$0x0] =	sbarrier.arrive $0xFFFF  }
0x25: {  	s6 =	rddreg [dreg:$0x9]  }
0x26: {  	s11 =	rddreg [dreg:$0xb]  }
0x27: {  	[hbm:s6], [sflag:s17] =	dma.local [spmem:s11], $0x2800  }
0x28: {  	_ =	swait.ge [sflag:s18], $0x2800  }
0x29: {  	s7 =	smov.u32 s17;
	s10 =	sadd.s32 $0x1, s10;
	s17 =	rddreg [dreg:$0xa]  }
0x2a: {  	p0 =	sne.s32 s10, s17  }
.Ltmp1:
0x2b: {  	_ = 	snop;
	(pc) =	sbr.rel @!p0 .LBB2_5-.Ltmp1, $3  }
0x2c: {  	_ =	sdelay $0x1  }
0x2d: {  	[sflag:s18] =	ssyncset.done $0x0  }
0x2e: {  	[sflag:s18] =	ssyncadd.s32 $0xFFFFD800  }
.LBB2_1:
0x2f: {  	s6 =	rddreg [dreg:$0x4]  }
0x30: {  	[spmem:s11], [sflag:s7] =	dma.local [hbm:s6], $0x2800  }
0x31: {  	_ =	swait.ge [sflag:s18], $0x2800  }
0x32: {  	[sflag:s18] =	ssyncset.done $0x0  }
0x33: {  	s12 =	rddreg [dreg:$0x5];
	[sflag:s18] =	ssyncadd.s32 $0xFFFFD800  }
0x34: {  	[tilespmem:s19], [sflag:$0x7] =	stream.linear.gather [hbm4b:s12+s4], $0x100, $0x38;
	[tilespmem:$0x1C400] =	vst v63  }
0x35: {  	_ =	swait.ge [sflag:s18], $0x100  }
0x36: {  	[sflag:s18] =	ssyncset.done $0x0  }
0x37: {  	[sflag:s18] =	ssyncadd.s32 $0xFFFFFF00  }
0x38: {  	[bflag:$0x0] =	sbarrier.arrive $0xFFFF  }
0x39: {  	[tilespmem:s21], [sflag:$0x5] =	stream.indirect.gather [hbm4b:s1+s20], $0x80, s19, s20, $0xb8;
	[tilespmem:$0x1C400] =	vst v63  }
0x3a: {  	s17 =	smov.u32 s7;
	s7 =	rddreg [dreg:$0x6]  }
0x3b: {  	[tilespmem:s22], [sflag:$0x2] =	stream.linear.gather [hbm4b:s7+s4], $0x100, $0x38;
	[tilespmem:$0x1C400] =	vst v63  }
0x3c: {  	s11 =	rddreg [dreg:$0x7]  }
0x3d: {  	[tilespmem:s23], [sflag:$0x3] =	stream.linear.gather [hbm4b:s11+s4], $0x100, $0x38;
	[tilespmem:$0x1C400] =	vst v63  }
0x3e: {  	s12 =	rddreg [dreg:$0x8];
	s11 =	simm.s32 $0x0  }
0x3f: {  	[tilespmem:s24], [sflag:$0x4] =	stream.linear.gather [hbm4b:s12+s4], $0x100, $0x38;
	[tilespmem:$0x1C400] =	vst v63  }
.LBB2_2:
0x40: {  	_ =	swait.ge [sflag:s25], $0x100  }
0x41: {  	[sflag:s25] =	ssyncset.done $0x0  }
0x42: {  	[sflag:s25] =	ssyncadd.s32 $0xFFFFFF00  }
0x43: {  	[tilespmem:s26], [sflag:$0x6] =	stream.indirect.gather [hbm4b:s1+s20], $0x80, s22, s20, $0xb8;
	[tilespmem:$0x1C400] =	vst v63  }
0x44: {  	_ =	swait.ge [sflag:s28], $0x3E80  }
0x45: {  	[sflag:s28] =	ssyncset.done $0x0  }
0x46: {  	[sflag:s28] =	ssyncadd.s32 $0xFFFFC180  }
0x47: {  	[spmem:s2] =	stream.indirect.scatter.add.f32 [tilespmem:s21], [sflag:$0x7], $0x80, s29, s20, $0xb8;
	[tilespmem:$0x1C400] =	vst v63  }
0x48: {  	p0 =	seq.s32 s11, $0x980;
	_ =	swait.ge [sflag:s18], $0x3E80  }
0x49: {  	s12 =	sadd.s32 @!p0 s11, s16;
	[sflag:s18] =	ssyncset.done $0x0  }
0x4a: {  	s6 =	simm.s32 @!p0 $0x0;
	s7 =	simm.s32 @!p0 $0x14000;
	[sflag:s18] =	ssyncadd.s32 $0xFFFFC180  }
0x4b: {  	[tilespmem:s7], [sflag:$0x1] =	stream.linear.gather @!p0 [hbm4b:s12+s6], $0x100, $0x38;
	[tilespmem:$0x1C400] =	vst v63  }
0x4c: {  	_ =	swait.ge [sflag:s30], $0x100  }
0x4d: {  	[sflag:s30] =	ssyncset.done $0x0  }
0x4e: {  	[sflag:s30] =	ssyncadd.s32 $0xFFFFFF00  }
0x4f: {  	[tilespmem:s21], [sflag:$0x5] =	stream.indirect.gather [hbm4b:s1+s20], $0x80, s23, s20, $0xb8;
	[tilespmem:$0x1C400] =	vst v63  }
0x50: {  	_ =	swait.ge [sflag:s31], $0x3E80  }
0x51: {  	[sflag:s31] =	ssyncset.done $0x0  }
0x52: {  	[sflag:s31] =	ssyncadd.s32 $0xFFFFC180  }
0x53: {  	[spmem:s2] =	stream.indirect.scatter.add.f32 [tilespmem:s26], [sflag:$0x7], $0x80, s0, s20, $0xb8;
	[tilespmem:$0x1C400] =	vst v63  }
0x54: {  	_ =	swait.ge [sflag:s18], $0x3E80  }
0x55: {  	[sflag:s18] =	ssyncset.done $0x0  }
0x56: {  	s7 =	sadd.s32 @!p0 s11, s15;
	s12 =	simm.s32 @!p0 $0x14100;
	[sflag:s18] =	ssyncadd.s32 $0xFFFFC180  }
0x57: {  	[tilespmem:s12], [sflag:$0x2] =	stream.linear.gather @!p0 [hbm4b:s7+s6], $0x100, $0x38;
	[tilespmem:$0x1C400] =	vst v63  }
0x58: {  	_ =	swait.ge [sflag:s3], $0x100  }
0x59: {  	[sflag:s3] =	ssyncset.done $0x0  }
0x5a: {  	[sflag:s3] =	ssyncadd.s32 $0xFFFFFF00  }
0x5b: {  	[tilespmem:s26], [sflag:$0x6] =	stream.indirect.gather [hbm4b:s1+s20], $0x80, s24, s20, $0xb8;
	[tilespmem:$0x1C400] =	vst v63  }
0x5c: {  	_ =	swait.ge [sflag:s28], $0x3E80  }
0x5d: {  	[sflag:s28] =	ssyncset.done $0x0  }
.Ltmp2:
0x5e: {  	[sflag:s28] =	ssyncadd.s32 $0xFFFFC180;
	(pc) =	sbr.rel @p0 .LBB2_4-.Ltmp2, $4  }
0x5f: {  	[spmem:s2] =	stream.indirect.scatter.add.f32 [tilespmem:s21], [sflag:$0x7], $0x80, s5, s20, $0xb8;
	[tilespmem:$0x1C400] =	vst v63  }
0x60: {  	_ =	swait.ge [sflag:s18], $0x3E80  }
0x61: {  	[sflag:s18] =	ssyncset.done $0x0  }
0x62: {  	[sflag:s18] =	ssyncadd.s32 $0xFFFFC180  }
0x63: {  	s6 =	sadd.s32 s11, s14  }
0x64: {  	[tilespmem:s23], [sflag:$0x3] =	stream.linear.gather [hbm4b:s6+s4], $0x100, $0x38;
	[tilespmem:$0x1C400] =	vst v63  }
0x65: {  	_ =	swait.ge [sflag:s9], $0x100  }
0x66: {  	[sflag:s9] =	ssyncset.done $0x0  }
0x67: {  	[sflag:s9] =	ssyncadd.s32 $0xFFFFFF00  }
0x68: {  	[tilespmem:s21], [sflag:$0x5] =	stream.indirect.gather [hbm4b:s1+s20], $0x80, s19, s20, $0xb8;
	[tilespmem:$0x1C400] =	vst v63  }
0x69: {  	_ =	swait.ge [sflag:s31], $0x3E80  }
0x6a: {  	[sflag:s31] =	ssyncset.done $0x0  }
0x6b: {  	[sflag:s31] =	ssyncadd.s32 $0xFFFFC180  }
0x6c: {  	[spmem:s2] =	stream.indirect.scatter.add.f32 [tilespmem:s26], [sflag:$0x7], $0x80, s8, s20, $0xb8;
	[tilespmem:$0x1C400] =	vst v63  }
.Ltmp3:
0x6d: {  	_ = 	snop;
	(pc) =	sbr.rel .LBB2_2-.Ltmp3, $4  }
0x6e: {  	_ =	swait.ge [sflag:s18], $0x3E80  }
0x6f: {  	[sflag:s18] =	ssyncset.done $0x0  }
0x70: {  	s12 =	sadd.s32 s11, s13;
	s11 =	sadd.s32 $0x80, s11;
	[sflag:s18] =	ssyncadd.s32 $0xFFFFC180  }
0x71: {  	[tilespmem:s24], [sflag:$0x4] =	stream.linear.gather [hbm4b:s12+s4], $0x100, $0x38;
	[tilespmem:$0x1C400] =	vst v63  }
.LBB2_5:
0x72: {  	_ =	sfence.sel $0x180000  }
0x73: {  	[bflag:$0x0] =	sbarrier.arrive $0xFFFF  }
0x74: {  	_ =	strace $0x9000004A  }
0x75: {  	s0 =	stileid.u32;
	[bflag:$0x2] =	sbarrier.arrive $0xFFFF  }
0x76: {  	p0 =	sne.s32 s0, $0x0;
	s0 =	rddreg [dreg:$0x3]  }
0x77: {  	s0 =	sadd.s32 @!p0 $0x100000, s0  }
0x78: {  	[sflag:s0] =	ssyncadd.tile.s32 @!p0 $0x1;
	_ =	shalt  }
.Lfunc_end2:
_tile_overlayer_lowered:
.L_overlay_start_2:
0x79: {  	(tag) =	ssettag $0x2  }
0x7a: {  	s0 =	rddreg [dreg:$0x0];
	s2 =	stileid.u32  }
0x7b: {  	s1 =	rddreg [dreg:$0x1];
	p0 =	sne.s32 s2, $0x0  }
0x7c: {  	s3 =	rddreg [dreg:$0x2];
	[bflag:$0x3] =	sbarrier.arrive $0xFFFF;
	s2 =	simm.s32 @!p0 $0x1C07  }
0x7d: {  	[timem:s3], [sflag:s2] =	dma.local @!p0 [hbm:s0], s1  }
0x7e: {  	s0 =	simm.s32 @!p0 $0x7  }
0x7f: {  	_ =	swait.ge @!p0 [sflag:s0], s1  }
0x80: {  	s1 =	ssub.s32 @!p0 $0x0, s1;
	[sflag:s0] =	ssyncset.done @!p0 $0x0  }
0x81: {  	[sflag:s0] =	ssyncadd.s32 @!p0 s1  }
0x82: {  	[bflag:$0x3] =	sbarrier.arrive $0xFFFF  }
0x83: {  	_ =	shalt  }

// kernel: kernel.14.cloned.1.call-start
scs
__scs_entry_jumppad:
0x0: {  	(pc) =	sbr.rel $0x88, $3  }
0x1: {  	(tag) =	ssettag $0x0;
	lr =	simm.s32 $0x1  }
0x2: {  	[smem:$0x3F99] =	sst lr;
	_ =	strace $0xD0000000  }
0x3: {  	_ = 	snop  }
0x4: {  	_ = 	snop  }
0x5: {  	_ = 	snop  }
0x6: {  	_ = 	snop  }
0x7: {  	_ = 	snop  }
__scs_overlays_trampoline_lowered:
0x8: {  	[smem:$0x3FA8] =	sst s0  }
0x9: {  	[smem:$0x3FA9] =	sst s1  }
0xa: {  	[smem:$0x3FAA] =	sst s2  }
0xb: {  	[smem:$0x3FAB] =	sst s3  }
0xc: {  	[smem:$0x3FAC] =	sst s4  }
0xd: {  	[smem:$0x3FAD] =	sst s5  }
0xe: {  	[smem:$0x3FAE] =	sst s6  }
0xf: {  	[smem:$0x3FAF] =	sst s7  }
0x10: {  	[smem:$0x3FB0] =	sst s8  }
0x11: {  	[smem:$0x3FB1] =	sst s9;
	s0 =	simm.s32 @!p0 $0x0  }
0x12: {  	s1 =	sld [smem:$0x3F97];
	s0 =	simm.s32 @p0 $0x1  }
0x13: {  	[smem:$0x3FB2] =	sst s0;
	s0 =	simm.s32 @!p1 $0x0  }
0x14: {  	s2 =	sld [smem:$0x3F96];
	s0 =	simm.s32 @p1 $0x1  }
0x15: {  	[smem:$0x3FB3] =	sst s0;
	s0 =	simm.s32 @!p2 $0x0  }
0x16: {  	s3 =	sld [smem:$0x3FDB];
	s0 =	simm.s32 @p2 $0x1  }
0x17: {  	s4 =	simm.s32 $0x1BF5;
	[smem:$0x3FB5] =	sst s0  }
0x18: {  	s0 =	sld [smem:$0x3F98];
	_ =	swait.ge [sflag:s4], $0x0  }
0x19: {  	s7 =	sld [smem:$0x3F99]  }
0x1a: {  	s8 =	sadd.s32 $0xFFFFE003, lr  }
0x1b: {  	s9 =	sadd.s32 $0xFFFFFEF7, lr;
	s5 =	simm.s32 $0xFFFFFFFF;
	p2 =	slt.u32 s8, $0xFFFFF086  }
0x1c: {  	p1 =	slt.u32 s9, $0xF7A;
	s5 =	simm.s32 @!p2 $0x0  }
0x1d: {  	s5 =	simm.s32 @p1 $0x1;
	p0 =	seq.s32 s7, s2  }
0x1e: {  	s7 =	smul.u32 @!p0 $0xF7A, s2;
	p2 =	seq.s32 @!p0 s5, $0x0  }
0x1f: {  	s9 =	smul.u32 $0xF7A, s1;
	s8 =	simm.s32 @!p0 $0x1BF5;
	p2 =	por !p2, p0  }
0x20: {  	[sflag:s8] =	ssyncset.s32 @!p0 $0xFFFFF086;
	s6 =	sadd.s32 @!p0 s3, s7;
	s7 =	simm.s32 @!p0 $0x108  }
0x21: {  	s3 =	sadd.s32 s3, s9;
	s6 =	sadd.s32 @!p0 $0x88, s6;
	s7 =	simm.s32 @p2 $0x1082  }
0x22: {  	[simem:s7], [sflag:s8] =	dma.local @!p0 [hbm:s6], $0xF7A  }
0x23: {  	s9 =	sor.u32 $0xD0000000, s2;
	s6 =	simm.s32 $0x108;
	_ =	swait.ge @!p0 [sflag:s8], $0x0  }
0x24: {  	s3 =	sadd.s32 $0x88, s3;
	s6 =	simm.s32 @!p1 $0x1082;
	[sflag:s4] =	ssyncset.s32 $0xFFFFF086  }
0x25: {  	[simem:s6], [sflag:s4] =	dma.local [hbm:s3], $0xF7A  }
0x26: {  	[smem:$0x3F99] =	sst s1;
	(tag) =	ssettag s2;
	_ =	strace s9  }
0x27: {  	s1 =	sld [smem:$0x3FA9]  }
0x28: {  	s2 =	sld [smem:$0x3FAA]  }
0x29: {  	s4 =	sld [smem:$0x3FAC]  }
0x2a: {  	p0 =	seq.s32 s5, $0x0;
	s5 =	sld [smem:$0x3FAD]  }
0x2b: {  	s6 =	sld [smem:$0x3FAE]  }
0x2c: {  	s7 =	sld [smem:$0x3FAF]  }
0x2d: {  	s3 =	simm.s32 $0x108;
	s8 =	sld [smem:$0x3FB0]  }
0x2e: {  	s3 =	simm.s32 @!p0 $0x1082;
	s9 =	sld [smem:$0x3FB1]  }
0x2f: {  	lr =	sadd.s32 s0, s3;
	s0 =	sld [smem:$0x3FA8]  }
0x30: {  	s3 =	sld [smem:$0x3FAB]  }
0x31: {  	[smem:$0x3FB4] =	sst s10  }
0x32: {  	s10 =	sld [smem:$0x3FB2];
	_ =	sdelay $0x3  }
0x33: {  	p0 =	seq.s32 s10, $0x1;
	s10 =	sld [smem:$0x3FB4];
	_ =	sdelay $0x3  }
0x34: {  	[smem:$0x3FB4] =	sst s10  }
0x35: {  	s10 =	sld [smem:$0x3FB3];
	_ =	sdelay $0x3  }
0x36: {  	p1 =	seq.s32 s10, $0x1;
	s10 =	sld [smem:$0x3FB4];
	_ =	sdelay $0x3  }
0x37: {  	[smem:$0x3FB4] =	sst s10  }
0x38: {  	s10 =	sld [smem:$0x3FB5]  }
0x39: {  	_ = 	snop;
	(pc) =	sbr.ind lr, $3  }
0x3a: {  	_ = 	snop  }
0x3b: {  	_ = 	snop  }
0x3c: {  	p2 =	seq.s32 s10, $0x1;
	s10 =	sld [smem:$0x3FB4]  }
0x3d: {  	_ =	shalt  }
0x3e: {  	_ =	shalt  }
0x3f: {  	_ =	shalt  }
0x40: {  	_ =	shalt  }
0x41: {  	_ =	shalt  }
0x42: {  	_ =	shalt  }
0x43: {  	_ =	shalt  }
0x44: {  	_ =	shalt  }
0x45: {  	_ =	shalt  }
0x46: {  	_ =	shalt  }
0x47: {  	_ =	shalt  }
0x48: {  	_ =	shalt  }
0x49: {  	_ =	shalt  }
0x4a: {  	_ =	shalt  }
0x4b: {  	_ =	shalt  }
0x4c: {  	_ =	shalt  }
0x4d: {  	_ =	shalt  }
0x4e: {  	_ =	shalt  }
0x4f: {  	_ =	shalt  }
0x50: {  	_ =	shalt  }
0x51: {  	_ =	shalt  }
0x52: {  	_ =	shalt  }
0x53: {  	_ =	shalt  }
0x54: {  	_ =	shalt  }
0x55: {  	_ =	shalt  }
0x56: {  	_ =	shalt  }
0x57: {  	_ =	shalt  }
0x58: {  	_ =	shalt  }
0x59: {  	_ =	shalt  }
0x5a: {  	_ =	shalt  }
0x5b: {  	_ =	shalt  }
0x5c: {  	_ =	shalt  }
0x5d: {  	_ =	shalt  }
0x5e: {  	_ =	shalt  }
0x5f: {  	_ =	shalt  }
0x60: {  	_ =	shalt  }
0x61: {  	_ =	shalt  }
0x62: {  	_ =	shalt  }
0x63: {  	_ =	shalt  }
0x64: {  	_ =	shalt  }
0x65: {  	_ =	shalt  }
0x66: {  	_ =	shalt  }
0x67: {  	_ =	shalt  }
0x68: {  	_ =	shalt  }
0x69: {  	_ =	shalt  }
0x6a: {  	_ =	shalt  }
0x6b: {  	_ =	shalt  }
0x6c: {  	_ =	shalt  }
0x6d: {  	_ =	shalt  }
0x6e: {  	_ =	shalt  }
0x6f: {  	_ =	shalt  }
0x70: {  	_ =	shalt  }
0x71: {  	_ =	shalt  }
0x72: {  	_ =	shalt  }
0x73: {  	_ =	shalt  }
0x74: {  	_ =	shalt  }
0x75: {  	_ =	shalt  }
0x76: {  	_ =	shalt  }
0x77: {  	_ =	shalt  }
0x78: {  	_ =	shalt  }
0x79: {  	_ =	shalt  }
0x7a: {  	_ =	shalt  }
0x7b: {  	_ =	shalt  }
0x7c: {  	_ =	shalt  }
0x7d: {  	_ =	shalt  }
0x7e: {  	_ =	shalt  }
0x7f: {  	_ =	shalt  }
0x80: {  	_ =	shalt  }
0x81: {  	_ =	shalt  }
0x82: {  	_ =	shalt  }
0x83: {  	_ =	shalt  }
0x84: {  	_ =	shalt  }
0x85: {  	_ =	shalt  }
0x86: {  	_ =	shalt  }
0x87: {  	_ =	shalt  }
.Lfunc_end0:
.L_simem_size_0:
called_computation.2_lowered:
.L_overlay_start_0:
0x88: {  	s2 =	sld [smem:$0x3FD9]  }
0x89: {  	s3 =	sld [smem:$0x3FFE];
	_ =	sdelay $0x1  }
0x8a: {  	s1 =	srdreg.scid  }
0x8b: {  	s0 =	sand.u32 $0x1, s1  }
0x8c: {  	s17 =	sshll.u32 s0, $0xA;
	s2 =	sadd.s32 s3, s2  }
0x8d: {  	s2 =	sadd.s32 s2, s17  }
0x8e: {  	[smem:$0x3FC0] =	sst s2  }
0x8f: {  	_ = 	snop  }
0x90: {  	s2 =	sld [smem:$0x3FD0];
	(tm) =	ssettm $0x1  }
0x91: {  	s18 =	sld [smem:$0x3FFB];
	_ =	sdelay $0x3  }
0x92: {  	_ =	strace s18  }
0x93: {  	s3 =	sld [smem:$0x3FFC];
	_ =	sdelay $0x3  }
0x94: {  	_ =	strace s3  }
0x95: {  	s3 =	sld [smem:$0x3FFD];
	_ =	sdelay $0x3  }
0x96: {  	_ =	strace s3  }
0x97: {  	_ =	strace $0x8FFFFFFF  }
0x98: {  	s19 =	sld [smem:$0x3FDB];
	_ =	sdelay $0x1  }
0x99: {  	s4 =	simm.s32 $_scs_section_size  }
0x9a: {  	s5 =	simm.s32 $_size__tile_overlayer_lowered;
	s6 =	simm.s32 $_tile_overlayer_lowered  }
0x9b: {  	s22 =	simm.s32 $0x1BFF;
	s21 =	sshll.u32 s6, $0x1;
	s3 =	sadd.s32 s4, s19  }
0x9c: {  	s7 =	simm.s32 $0x0;
	s20 =	sshll.u32 s5, $0x1;
	s5 =	sadd.s32 s21, s3  }
0x9d: {  	[timem:s7], [sflag:s22] =	dma.local [hbm:s5], s20  }
0x9e: {  	_ =	swait.ge [sflag:s22], s20  }
0x9f: {  	s4 =	ssub.s32 $0x0, s20;
	[sflag:s22] =	ssyncset.done $0x0  }
0xa0: {  	[sflag:s22] =	ssyncadd.s32 s4;
	_ =	sdelay $0x1  }
0xa1: {  	s23 =	simm.s32 $0x1B8B  }
0xa2: {  	_ =	swait.ge [sflag:s23], $0x1  }
0xa3: {  	[sflag:s23] =	ssyncset.done $0x0  }
0xa4: {  	s25 =	simm.s32 $0x1B8E;
	s24 =	sld [smem:$0x3FFE];
	[sflag:s23] =	ssyncadd.s32 $0xFFFFFFFF  }
0xa5: {  	s26 =	simm.s32 $execute0_lowered;
	[smem:$0x3FD2] =	sst s25  }
0xa6: {  	s5 =	sshll.u32 s26, $0x1;
	_ =	strace $0x8000004C;
	[dreg:$0x1] =	wrdreg $0xFFFFFFFF  }
0xa7: {  	s28 =	simm.s32 $_size_execute0_lowered;
	s3 =	sadd.s32 s3, s5;
	[dreg:$0x0] =	wrdreg $0x0  }
0xa8: {  	s5 =	sshll.u32 s28, $0x1;
	[dreg:$0x2] =	wrdreg s3  }
0xa9: {  	[dreg:$0x3] =	wrdreg s5  }
0xaa: {  	[dreg:$0x4] =	wrdreg $0xC0  }
0xab: {  	_ =	task [dreg:s7], $0x5FFFF  }
0xac: {  	[dreg:$0x1] =	wrdreg $0xFFFFFFFF  }
0xad: {  	[dreg:$0x0] =	wrdreg $0x60  }
0xae: {  	[dreg:$0x2] =	wrdreg s2  }
0xaf: {  	[dreg:$0x3] =	wrdreg s24  }
0xb0: {  	[dreg:$0x4] =	wrdreg $0x0  }
0xb1: {  	[dreg:$0x5] =	wrdreg $0x9  }
0xb2: {  	_ =	task.clear_ibuf [dreg:s7], $0x6FFFF;
	_ =	strace $0x9000004C  }
0xb3: {  	s29 =	simm.s32 $0x9;
	_ =	strace $0x8000004E  }
0xb4: {  	_ =	swait.ge [sflag:s29], $0x1  }
0xb5: {  	[sflag:s29] =	ssyncadd.s32 $0xFFFFFFFF  }
0xb6: {  	_ =	strace $0x9000004E  }
0xb7: {  	_ =	sfence  }
0xb8: {  	s30 =	sld [smem:$0x0];
	_ =	sdelay $0x2  }
0xb9: {  	s31 =	sshll.u32 s1, $0xD;
	s1 =	sshrl.u32 s1, $0x2  }
0xba: {  	s3 =	sand.u32 $0x4000, s31;
	s1 =	sadd.s32 s1, s30  }
0xbb: {  	s0 =	sor.u32 s3, s0;
	s1 =	sshll.u32 s1, $0x11  }
0xbc: {  	s0 =	sor.u32 s1, s0  }
0xbd: {  	s0 =	sadd.s32 $0x8F2B, s0  }
0xbe: {  	[sflag:s0] =	ssyncadd.remote.s32 $0x1  }
0xbf: {  	_ =	sfence.sel $0xFFFF  }
0xc0: {  	[dreg:$0x0] =	wrdreg $0xFFFFFFFF;
	(pc) =	sbr.abs _section_cstart, $3  }
0xc1: {  	[dreg:$0x1] =	wrdreg $0xFFFFFFFF  }
0xc2: {  	_ =	task.clear_ibuf [dreg:s7], $0x2FFFF;
	_ =	strace $0x9FFFFFFF  }
0xc3: {  	(tm) =	ssettm $0x7FFFFFFF  }
tec
execute0_lowered:
.L_overlay_start_1:
0x0: {  	(tag) =	ssettag $0x1  }
0x1: {  	s1 =	rddreg [dreg:$0x0]  }
0x2: {  	s0 =	rddreg [dreg:$0x1]  }
0x3: {  	s2 =	rddreg [dreg:$0x2]  }
0x4: {  	s3 =	srdreg.scid;
	s4 =	simm.s32 $0x0;
	s11 =	stileid.u32  }
0x5: {  	s28 =	simm.s32 $0x5;
	s29 =	simm.s32 $0x14080;
	s30 =	simm.s32 $0x3  }
0x6: {  	s31 =	simm.s32 $0x6;
	s3 =	sand.u32 $0x1, s3;
	s6 =	smul.u32 $0x14000, s11  }
0x7: {  	[smem:$0x7FF] =	sst s4;
	s8 =	sadd.s32 $0xD200, s0;
	s9 =	smul.u32 $0x50000, s11  }
0x8: {  	s7 =	sadd.s32 $0x2A00, s0;
	s13 =	sshll.u32 s11, $0x1;
	s16 =	smul.u32 $0xA000, s11  }
0x9: {  	s18 =	sshll.u32 s11, $0x6;
	s5 =	smul.u32 $0x140000, s3;
	_ =	strace $0x8000004D  }
0xa: {  	[dreg:$0x4] =	wrdreg s7;
	s14 =	ssub.s32 $0x2, s3;
	s7 =	sor.u32 $0x1C07, s18  }
0xb: {  	s18 =	simm.s32 $0x7;
	s10 =	sshrl.u32 s14, $0x1;
	s17 =	sshrl.u32 s9, $0x2  }
0xc: {  	s5 =	sadd.s32 s6, s5;
	s6 =	sor.u32 s3, s13;
	s15 =	ssub.s32 s14, s10  }
0xd: {  	s3 =	smul.u32 $0x5000, s3;
	s9 =	sadd.s32 s17, s2;
	s10 =	simm.s32 $0x0  }
0xe: {  	s5 =	sshrl.u32 s5, $0x3;
	s6 =	smul.u32 $0x5000, s6;
	s22 =	smax.u32 s15, $0x1  }
0xf: {  	s11 =	sshrl.u32 s9, $0x3;
	s9 =	simm.s32 $0x1;
	s0 =	sadd.s32 s5, s0  }
0x10: {  	s3 =	sadd.s32 s3, s16;
	[dreg:$0xa] =	wrdreg s22;
	s22 =	simm.s32 $0x14100  }
0x11: {  	[dreg:$0xb] =	wrdreg s11;
	s6 =	sshrl.u32 s6, $0x3;
	s21 =	sor.u32 $0x700, s3  }
0x12: {  	s0 =	sadd.s32 $0x21200, s0;
	s24 =	sor.u32 $0x600, s3;
	s25 =	sor.u32 $0x500, s3  }
0x13: {  	s3 =	sor.u32 $0x400, s3;
	s6 =	sadd.s32 s8, s6;
	[dreg:$0x9] =	wrdreg s0  }
0x14: {  	s23 =	sshrl.u32 s21, $0x3;
	s0 =	sshrl.u32 s24, $0x3;
	s5 =	sshrl.u32 s25, $0x3  }
0x15: {  	s26 =	sshrl.u32 s3, $0x3;
	s21 =	simm.s32 $0x14400;
	s24 =	simm.s32 $0x14300  }
0x16: {  	s25 =	simm.s32 $0x2;
	s3 =	simm.s32 $0x4;
	s19 =	sadd.s32 $0x20, s6  }
0x17: {  	s20 =	sadd.s32 $0x40, s6;
	[dreg:$0x5] =	wrdreg s6;
	s6 =	sadd.s32 $0x60, s6  }
.Ltmp0:
0x18: {  	s13 =	sadd.s32 s23, s8;
	s14 =	sadd.s32 s0, s8;
	(pc) =	sbr.rel .LBB2_1-.Ltmp0, $4  }
0x19: {  	s15 =	sadd.s32 s5, s8;
	s16 =	sadd.s32 s26, s8;
	s23 =	simm.s32 $0x14200  }
0x1a: {  	s26 =	simm.s32 $0x18400;
	s0 =	simm.s32 $0x14180;
	[dreg:$0x6] =	wrdreg s19  }
0x1b: {  	s5 =	simm.s32 $0x14280;
	s8 =	simm.s32 $0x14380;
	[dreg:$0x7] =	wrdreg s20  }
0x1c: {  	[dreg:$0x8] =	wrdreg s6;
	s19 =	simm.s32 $0x14000;
	s20 =	simm.s32 $0x7D  }
.LBB2_4:
0x1d: {  	_ =	swait.ge [sflag:s31], $0x3E80  }
0x1e: {  	[sflag:s31] =	ssyncset.done $0x0  }
0x1f: {  	[sflag:s31] =	ssyncadd.s32 $0xFFFFC180  }
0x20: {  	[spmem:s2] =	stream.indirect.scatter.add.f32 [tilespmem:s26], [sflag:$0x7], $0x80, s8, s20, $0xb8;
	[tilespmem:$0x1C400] =	vst v63  }
0x21: {  	_ =	swait.ge [sflag:s18], $0x3E80  }
0x22: {  	[sflag:s18] =	ssyncset.done $0x0  }
0x23: {  	[sflag:s18] =	ssyncadd.s32 $0xFFFFC180  }
0x24: {  	[bflag:$0x0] =	sbarrier.arrive $0xFFFF  }
0x25: {  	s6 =	rddreg [dreg:$0x9]  }
0x26: {  	s11 =	rddreg [dreg:$0xb]  }
0x27: {  	[hbm:s6], [sflag:s17] =	dma.local [spmem:s11], $0x2800  }
0x28: {  	_ =	swait.ge [sflag:s18], $0x2800  }
0x29: {  	s7 =	smov.u32 s17;
	s10 =	sadd.s32 $0x1, s10;
	s17 =	rddreg [dreg:$0xa]  }
0x2a: {  	p0 =	sne.s32 s10, s17  }
.Ltmp1:
0x2b: {  	_ = 	snop;
	(pc) =	sbr.rel @!p0 .LBB2_5-.Ltmp1, $3  }
0x2c: {  	_ =	sdelay $0x1  }
0x2d: {  	[sflag:s18] =	ssyncset.done $0x0  }
0x2e: {  	[sflag:s18] =	ssyncadd.s32 $0xFFFFD800  }
.LBB2_1:
0x2f: {  	s6 =	rddreg [dreg:$0x4]  }
0x30: {  	[spmem:s11], [sflag:s7] =	dma.local [hbm:s6], $0x2800  }
0x31: {  	_ =	swait.ge [sflag:s18], $0x2800  }
0x32: {  	[sflag:s18] =	ssyncset.done $0x0  }
0x33: {  	s12 =	rddreg [dreg:$0x5];
	[sflag:s18] =	ssyncadd.s32 $0xFFFFD800  }
0x34: {  	[tilespmem:s19], [sflag:$0x7] =	stream.linear.gather [hbm4b:s12+s4], $0x100, $0x38;
	[tilespmem:$0x1C400] =	vst v63  }
0x35: {  	_ =	swait.ge [sflag:s18], $0x100  }
0x36: {  	[sflag:s18] =	ssyncset.done $0x0  }
0x37: {  	[sflag:s18] =	ssyncadd.s32 $0xFFFFFF00  }
0x38: {  	[bflag:$0x0] =	sbarrier.arrive $0xFFFF  }
0x39: {  	[tilespmem:s21], [sflag:$0x5] =	stream.indirect.gather [hbm4b:s1+s20], $0x80, s19, s20, $0xb8;
	[tilespmem:$0x1C400] =	vst v63  }
0x3a: {  	s17 =	smov.u32 s7;
	s7 =	rddreg [dreg:$0x6]  }
0x3b: {  	[tilespmem:s22], [sflag:$0x2] =	stream.linear.gather [hbm4b:s7+s4], $0x100, $0x38;
	[tilespmem:$0x1C400] =	vst v63  }
0x3c: {  	s11 =	rddreg [dreg:$0x7]  }
0x3d: {  	[tilespmem:s23], [sflag:$0x3] =	stream.linear.gather [hbm4b:s11+s4], $0x100, $0x38;
	[tilespmem:$0x1C400] =	vst v63  }
0x3e: {  	s12 =	rddreg [dreg:$0x8];
	s11 =	simm.s32 $0x0  }
0x3f: {  	[tilespmem:s24], [sflag:$0x4] =	stream.linear.gather [hbm4b:s12+s4], $0x100, $0x38;
	[tilespmem:$0x1C400] =	vst v63  }
.LBB2_2:
0x40: {  	_ =	swait.ge [sflag:s25], $0x100  }
0x41: {  	[sflag:s25] =	ssyncset.done $0x0  }
0x42: {  	[sflag:s25] =	ssyncadd.s32 $0xFFFFFF00  }
0x43: {  	[tilespmem:s26], [sflag:$0x6] =	stream.indirect.gather [hbm4b:s1+s20], $0x80, s22, s20, $0xb8;
	[tilespmem:$0x1C400] =	vst v63  }
0x44: {  	_ =	swait.ge [sflag:s28], $0x3E80  }
0x45: {  	[sflag:s28] =	ssyncset.done $0x0  }
0x46: {  	[sflag:s28] =	ssyncadd.s32 $0xFFFFC180  }
0x47: {  	[spmem:s2] =	stream.indirect.scatter.add.f32 [tilespmem:s21], [sflag:$0x7], $0x80, s29, s20, $0xb8;
	[tilespmem:$0x1C400] =	vst v63  }
0x48: {  	p0 =	seq.s32 s11, $0x980;
	_ =	swait.ge [sflag:s18], $0x3E80  }
0x49: {  	s12 =	sadd.s32 @!p0 s11, s16;
	[sflag:s18] =	ssyncset.done $0x0  }
0x4a: {  	s6 =	simm.s32 @!p0 $0x0;
	s7 =	simm.s32 @!p0 $0x14000;
	[sflag:s18] =	ssyncadd.s32 $0xFFFFC180  }
0x4b: {  	[tilespmem:s7], [sflag:$0x1] =	stream.linear.gather @!p0 [hbm4b:s12+s6], $0x100, $0x38;
	[tilespmem:$0x1C400] =	vst v63  }
0x4c: {  	_ =	swait.ge [sflag:s30], $0x100  }
0x4d: {  	[sflag:s30] =	ssyncset.done $0x0  }
0x4e: {  	[sflag:s30] =	ssyncadd.s32 $0xFFFFFF00  }
0x4f: {  	[tilespmem:s21], [sflag:$0x5] =	stream.indirect.gather [hbm4b:s1+s20], $0x80, s23, s20, $0xb8;
	[tilespmem:$0x1C400] =	vst v63  }
0x50: {  	_ =	swait.ge [sflag:s31], $0x3E80  }
0x51: {  	[sflag:s31] =	ssyncset.done $0x0  }
0x52: {  	[sflag:s31] =	ssyncadd.s32 $0xFFFFC180  }
0x53: {  	[spmem:s2] =	stream.indirect.scatter.add.f32 [tilespmem:s26], [sflag:$0x7], $0x80, s0, s20, $0xb8;
	[tilespmem:$0x1C400] =	vst v63  }
0x54: {  	_ =	swait.ge [sflag:s18], $0x3E80  }
0x55: {  	[sflag:s18] =	ssyncset.done $0x0  }
0x56: {  	s7 =	sadd.s32 @!p0 s11, s15;
	s12 =	simm.s32 @!p0 $0x14100;
	[sflag:s18] =	ssyncadd.s32 $0xFFFFC180  }
0x57: {  	[tilespmem:s12], [sflag:$0x2] =	stream.linear.gather @!p0 [hbm4b:s7+s6], $0x100, $0x38;
	[tilespmem:$0x1C400] =	vst v63  }
0x58: {  	_ =	swait.ge [sflag:s3], $0x100  }
0x59: {  	[sflag:s3] =	ssyncset.done $0x0  }
0x5a: {  	[sflag:s3] =	ssyncadd.s32 $0xFFFFFF00  }
0x5b: {  	[tilespmem:s26], [sflag:$0x6] =	stream.indirect.gather [hbm4b:s1+s20], $0x80, s24, s20, $0xb8;
	[tilespmem:$0x1C400] =	vst v63  }
0x5c: {  	_ =	swait.ge [sflag:s28], $0x3E80  }
0x5d: {  	[sflag:s28] =	ssyncset.done $0x0  }
.Ltmp2:
0x5e: {  	[sflag:s28] =	ssyncadd.s32 $0xFFFFC180;
	(pc) =	sbr.rel @p0 .LBB2_4-.Ltmp2, $4  }
0x5f: {  	[spmem:s2] =	stream.indirect.scatter.add.f32 [tilespmem:s21], [sflag:$0x7], $0x80, s5, s20, $0xb8;
	[tilespmem:$0x1C400] =	vst v63  }
0x60: {  	_ =	swait.ge [sflag:s18], $0x3E80  }
0x61: {  	[sflag:s18] =	ssyncset.done $0x0  }
0x62: {  	[sflag:s18] =	ssyncadd.s32 $0xFFFFC180  }
0x63: {  	s6 =	sadd.s32 s11, s14  }
0x64: {  	[tilespmem:s23], [sflag:$0x3] =	stream.linear.gather [hbm4b:s6+s4], $0x100, $0x38;
	[tilespmem:$0x1C400] =	vst v63  }
0x65: {  	_ =	swait.ge [sflag:s9], $0x100  }
0x66: {  	[sflag:s9] =	ssyncset.done $0x0  }
0x67: {  	[sflag:s9] =	ssyncadd.s32 $0xFFFFFF00  }
0x68: {  	[tilespmem:s21], [sflag:$0x5] =	stream.indirect.gather [hbm4b:s1+s20], $0x80, s19, s20, $0xb8;
	[tilespmem:$0x1C400] =	vst v63  }
0x69: {  	_ =	swait.ge [sflag:s31], $0x3E80  }
0x6a: {  	[sflag:s31] =	ssyncset.done $0x0  }
0x6b: {  	[sflag:s31] =	ssyncadd.s32 $0xFFFFC180  }
0x6c: {  	[spmem:s2] =	stream.indirect.scatter.add.f32 [tilespmem:s26], [sflag:$0x7], $0x80, s8, s20, $0xb8;
	[tilespmem:$0x1C400] =	vst v63  }
.Ltmp3:
0x6d: {  	_ = 	snop;
	(pc) =	sbr.rel .LBB2_2-.Ltmp3, $4  }
0x6e: {  	_ =	swait.ge [sflag:s18], $0x3E80  }
0x6f: {  	[sflag:s18] =	ssyncset.done $0x0  }
0x70: {  	s12 =	sadd.s32 s11, s13;
	s11 =	sadd.s32 $0x80, s11;
	[sflag:s18] =	ssyncadd.s32 $0xFFFFC180  }
0x71: {  	[tilespmem:s24], [sflag:$0x4] =	stream.linear.gather [hbm4b:s12+s4], $0x100, $0x38;
	[tilespmem:$0x1C400] =	vst v63  }
.LBB2_5:
0x72: {  	_ =	sfence.sel $0x180000  }
0x73: {  	[bflag:$0x0] =	sbarrier.arrive $0xFFFF  }
0x74: {  	_ =	strace $0x9000004D  }
0x75: {  	s0 =	stileid.u32;
	[bflag:$0x2] =	sbarrier.arrive $0xFFFF  }
0x76: {  	p0 =	sne.s32 s0, $0x0;
	s0 =	rddreg [dreg:$0x3]  }
0x77: {  	s0 =	sadd.s32 @!p0 $0x100000, s0  }
0x78: {  	[sflag:s0] =	ssyncadd.tile.s32 @!p0 $0x1;
	_ =	shalt  }
.Lfunc_end2:
_tile_overlayer_lowered:
.L_overlay_start_2:
0x79: {  	(tag) =	ssettag $0x2  }
0x7a: {  	s0 =	rddreg [dreg:$0x0];
	s2 =	stileid.u32  }
0x7b: {  	s1 =	rddreg [dreg:$0x1];
	p0 =	sne.s32 s2, $0x0  }
0x7c: {  	s3 =	rddreg [dreg:$0x2];
	[bflag:$0x3] =	sbarrier.arrive $0xFFFF;
	s2 =	simm.s32 @!p0 $0x1C07  }
0x7d: {  	[timem:s3], [sflag:s2] =	dma.local @!p0 [hbm:s0], s1  }
0x7e: {  	s0 =	simm.s32 @!p0 $0x7  }
0x7f: {  	_ =	swait.ge @!p0 [sflag:s0], s1  }
0x80: {  	s1 =	ssub.s32 @!p0 $0x0, s1;
	[sflag:s0] =	ssyncset.done @!p0 $0x0  }
0x81: {  	[sflag:s0] =	ssyncadd.s32 @!p0 s1  }
0x82: {  	[bflag:$0x3] =	sbarrier.arrive $0xFFFF  }
0x83: {  	_ =	shalt  }

// kernel: kernel.8.cloned.1.call-start
scs
__scs_entry_jumppad:
0x0: {  	(pc) =	sbr.rel $0x88, $3  }
0x1: {  	(tag) =	ssettag $0x0;
	lr =	simm.s32 $0x1  }
0x2: {  	[smem:$0x3F99] =	sst lr;
	_ =	strace $0xD0000000  }
0x3: {  	_ = 	snop  }
0x4: {  	_ = 	snop  }
0x5: {  	_ = 	snop  }
0x6: {  	_ = 	snop  }
0x7: {  	_ = 	snop  }
__scs_overlays_trampoline_lowered:
0x8: {  	[smem:$0x3FA8] =	sst s0  }
0x9: {  	[smem:$0x3FA9] =	sst s1  }
0xa: {  	[smem:$0x3FAA] =	sst s2  }
0xb: {  	[smem:$0x3FAB] =	sst s3  }
0xc: {  	[smem:$0x3FAC] =	sst s4  }
0xd: {  	[smem:$0x3FAD] =	sst s5  }
0xe: {  	[smem:$0x3FAE] =	sst s6  }
0xf: {  	[smem:$0x3FAF] =	sst s7  }
0x10: {  	[smem:$0x3FB0] =	sst s8  }
0x11: {  	[smem:$0x3FB1] =	sst s9;
	s0 =	simm.s32 @!p0 $0x0  }
0x12: {  	s1 =	sld [smem:$0x3F97];
	s0 =	simm.s32 @p0 $0x1  }
0x13: {  	[smem:$0x3FB2] =	sst s0;
	s0 =	simm.s32 @!p1 $0x0  }
0x14: {  	s2 =	sld [smem:$0x3F96];
	s0 =	simm.s32 @p1 $0x1  }
0x15: {  	[smem:$0x3FB3] =	sst s0;
	s0 =	simm.s32 @!p2 $0x0  }
0x16: {  	s3 =	sld [smem:$0x3FDB];
	s0 =	simm.s32 @p2 $0x1  }
0x17: {  	s4 =	simm.s32 $0x1BF5;
	[smem:$0x3FB5] =	sst s0  }
0x18: {  	s0 =	sld [smem:$0x3F98];
	_ =	swait.ge [sflag:s4], $0x0  }
0x19: {  	s7 =	sld [smem:$0x3F99]  }
0x1a: {  	s8 =	sadd.s32 $0xFFFFE003, lr  }
0x1b: {  	s9 =	sadd.s32 $0xFFFFFEF7, lr;
	s5 =	simm.s32 $0xFFFFFFFF;
	p2 =	slt.u32 s8, $0xFFFFF086  }
0x1c: {  	p1 =	slt.u32 s9, $0xF7A;
	s5 =	simm.s32 @!p2 $0x0  }
0x1d: {  	s5 =	simm.s32 @p1 $0x1;
	p0 =	seq.s32 s7, s2  }
0x1e: {  	s7 =	smul.u32 @!p0 $0xF7A, s2;
	p2 =	seq.s32 @!p0 s5, $0x0  }
0x1f: {  	s9 =	smul.u32 $0xF7A, s1;
	s8 =	simm.s32 @!p0 $0x1BF5;
	p2 =	por !p2, p0  }
0x20: {  	[sflag:s8] =	ssyncset.s32 @!p0 $0xFFFFF086;
	s6 =	sadd.s32 @!p0 s3, s7;
	s7 =	simm.s32 @!p0 $0x108  }
0x21: {  	s3 =	sadd.s32 s3, s9;
	s6 =	sadd.s32 @!p0 $0x88, s6;
	s7 =	simm.s32 @p2 $0x1082  }
0x22: {  	[simem:s7], [sflag:s8] =	dma.local @!p0 [hbm:s6], $0xF7A  }
0x23: {  	s9 =	sor.u32 $0xD0000000, s2;
	s6 =	simm.s32 $0x108;
	_ =	swait.ge @!p0 [sflag:s8], $0x0  }
0x24: {  	s3 =	sadd.s32 $0x88, s3;
	s6 =	simm.s32 @!p1 $0x1082;
	[sflag:s4] =	ssyncset.s32 $0xFFFFF086  }
0x25: {  	[simem:s6], [sflag:s4] =	dma.local [hbm:s3], $0xF7A  }
0x26: {  	[smem:$0x3F99] =	sst s1;
	(tag) =	ssettag s2;
	_ =	strace s9  }
0x27: {  	s1 =	sld [smem:$0x3FA9]  }
0x28: {  	s2 =	sld [smem:$0x3FAA]  }
0x29: {  	s4 =	sld [smem:$0x3FAC]  }
0x2a: {  	p0 =	seq.s32 s5, $0x0;
	s5 =	sld [smem:$0x3FAD]  }
0x2b: {  	s6 =	sld [smem:$0x3FAE]  }
0x2c: {  	s7 =	sld [smem:$0x3FAF]  }
0x2d: {  	s3 =	simm.s32 $0x108;
	s8 =	sld [smem:$0x3FB0]  }
0x2e: {  	s3 =	simm.s32 @!p0 $0x1082;
	s9 =	sld [smem:$0x3FB1]  }
0x2f: {  	lr =	sadd.s32 s0, s3;
	s0 =	sld [smem:$0x3FA8]  }
0x30: {  	s3 =	sld [smem:$0x3FAB]  }
0x31: {  	[smem:$0x3FB4] =	sst s10  }
0x32: {  	s10 =	sld [smem:$0x3FB2];
	_ =	sdelay $0x3  }
0x33: {  	p0 =	seq.s32 s10, $0x1;
	s10 =	sld [smem:$0x3FB4];
	_ =	sdelay $0x3  }
0x34: {  	[smem:$0x3FB4] =	sst s10  }
0x35: {  	s10 =	sld [smem:$0x3FB3];
	_ =	sdelay $0x3  }
0x36: {  	p1 =	seq.s32 s10, $0x1;
	s10 =	sld [smem:$0x3FB4];
	_ =	sdelay $0x3  }
0x37: {  	[smem:$0x3FB4] =	sst s10  }
0x38: {  	s10 =	sld [smem:$0x3FB5]  }
0x39: {  	_ = 	snop;
	(pc) =	sbr.ind lr, $3  }
0x3a: {  	_ = 	snop  }
0x3b: {  	_ = 	snop  }
0x3c: {  	p2 =	seq.s32 s10, $0x1;
	s10 =	sld [smem:$0x3FB4]  }
0x3d: {  	_ =	shalt  }
0x3e: {  	_ =	shalt  }
0x3f: {  	_ =	shalt  }
0x40: {  	_ =	shalt  }
0x41: {  	_ =	shalt  }
0x42: {  	_ =	shalt  }
0x43: {  	_ =	shalt  }
0x44: {  	_ =	shalt  }
0x45: {  	_ =	shalt  }
0x46: {  	_ =	shalt  }
0x47: {  	_ =	shalt  }
0x48: {  	_ =	shalt  }
0x49: {  	_ =	shalt  }
0x4a: {  	_ =	shalt  }
0x4b: {  	_ =	shalt  }
0x4c: {  	_ =	shalt  }
0x4d: {  	_ =	shalt  }
0x4e: {  	_ =	shalt  }
0x4f: {  	_ =	shalt  }
0x50: {  	_ =	shalt  }
0x51: {  	_ =	shalt  }
0x52: {  	_ =	shalt  }
0x53: {  	_ =	shalt  }
0x54: {  	_ =	shalt  }
0x55: {  	_ =	shalt  }
0x56: {  	_ =	shalt  }
0x57: {  	_ =	shalt  }
0x58: {  	_ =	shalt  }
0x59: {  	_ =	shalt  }
0x5a: {  	_ =	shalt  }
0x5b: {  	_ =	shalt  }
0x5c: {  	_ =	shalt  }
0x5d: {  	_ =	shalt  }
0x5e: {  	_ =	shalt  }
0x5f: {  	_ =	shalt  }
0x60: {  	_ =	shalt  }
0x61: {  	_ =	shalt  }
0x62: {  	_ =	shalt  }
0x63: {  	_ =	shalt  }
0x64: {  	_ =	shalt  }
0x65: {  	_ =	shalt  }
0x66: {  	_ =	shalt  }
0x67: {  	_ =	shalt  }
0x68: {  	_ =	shalt  }
0x69: {  	_ =	shalt  }
0x6a: {  	_ =	shalt  }
0x6b: {  	_ =	shalt  }
0x6c: {  	_ =	shalt  }
0x6d: {  	_ =	shalt  }
0x6e: {  	_ =	shalt  }
0x6f: {  	_ =	shalt  }
0x70: {  	_ =	shalt  }
0x71: {  	_ =	shalt  }
0x72: {  	_ =	shalt  }
0x73: {  	_ =	shalt  }
0x74: {  	_ =	shalt  }
0x75: {  	_ =	shalt  }
0x76: {  	_ =	shalt  }
0x77: {  	_ =	shalt  }
0x78: {  	_ =	shalt  }
0x79: {  	_ =	shalt  }
0x7a: {  	_ =	shalt  }
0x7b: {  	_ =	shalt  }
0x7c: {  	_ =	shalt  }
0x7d: {  	_ =	shalt  }
0x7e: {  	_ =	shalt  }
0x7f: {  	_ =	shalt  }
0x80: {  	_ =	shalt  }
0x81: {  	_ =	shalt  }
0x82: {  	_ =	shalt  }
0x83: {  	_ =	shalt  }
0x84: {  	_ =	shalt  }
0x85: {  	_ =	shalt  }
0x86: {  	_ =	shalt  }
0x87: {  	_ =	shalt  }
.Lfunc_end0:
.L_simem_size_0:
called_computation_lowered:
.L_overlay_start_0:
0x88: {  	s2 =	sld [smem:$0x3FD9]  }
0x89: {  	s3 =	sld [smem:$0x3FFE];
	_ =	sdelay $0x1  }
0x8a: {  	s1 =	srdreg.scid  }
0x8b: {  	s0 =	sand.u32 $0x1, s1  }
0x8c: {  	s17 =	sshll.u32 s0, $0xA;
	s2 =	sadd.s32 s3, s2  }
0x8d: {  	s2 =	sadd.s32 s2, s17  }
0x8e: {  	[smem:$0x3FC0] =	sst s2  }
0x8f: {  	_ = 	snop  }
0x90: {  	s2 =	sld [smem:$0x3FD0];
	(tm) =	ssettm $0x1  }
0x91: {  	s18 =	sld [smem:$0x3FFB];
	_ =	sdelay $0x3  }
0x92: {  	_ =	strace s18  }
0x93: {  	s3 =	sld [smem:$0x3FFC];
	_ =	sdelay $0x3  }
0x94: {  	_ =	strace s3  }
0x95: {  	s3 =	sld [smem:$0x3FFD];
	_ =	sdelay $0x3  }
0x96: {  	_ =	strace s3  }
0x97: {  	_ =	strace $0x8FFFFFFF  }
0x98: {  	s19 =	sld [smem:$0x3FDB];
	_ =	sdelay $0x1  }
0x99: {  	s4 =	simm.s32 $_scs_section_size  }
0x9a: {  	s5 =	simm.s32 $_size__tile_overlayer_lowered;
	s6 =	simm.s32 $_tile_overlayer_lowered  }
0x9b: {  	s22 =	simm.s32 $0x1BFF;
	s21 =	sshll.u32 s6, $0x1;
	s3 =	sadd.s32 s4, s19  }
0x9c: {  	s7 =	simm.s32 $0x0;
	s20 =	sshll.u32 s5, $0x1;
	s5 =	sadd.s32 s21, s3  }
0x9d: {  	[timem:s7], [sflag:s22] =	dma.local [hbm:s5], s20  }
0x9e: {  	_ =	swait.ge [sflag:s22], s20  }
0x9f: {  	s4 =	ssub.s32 $0x0, s20;
	[sflag:s22] =	ssyncset.done $0x0  }
0xa0: {  	[sflag:s22] =	ssyncadd.s32 s4;
	_ =	sdelay $0x1  }
0xa1: {  	s23 =	simm.s32 $0x1B8B  }
0xa2: {  	_ =	swait.ge [sflag:s23], $0x1  }
0xa3: {  	[sflag:s23] =	ssyncset.done $0x0  }
0xa4: {  	s25 =	simm.s32 $0x1B8E;
	s24 =	sld [smem:$0x3FFE];
	[sflag:s23] =	ssyncadd.s32 $0xFFFFFFFF  }
0xa5: {  	s26 =	simm.s32 $execute0_lowered;
	[smem:$0x3FD2] =	sst s25  }
0xa6: {  	s5 =	sshll.u32 s26, $0x1;
	_ =	strace $0x80000046;
	[dreg:$0x1] =	wrdreg $0xFFFFFFFF  }
0xa7: {  	s28 =	simm.s32 $_size_execute0_lowered;
	s3 =	sadd.s32 s3, s5;
	[dreg:$0x0] =	wrdreg $0x0  }
0xa8: {  	s5 =	sshll.u32 s28, $0x1;
	[dreg:$0x2] =	wrdreg s3  }
0xa9: {  	[dreg:$0x3] =	wrdreg s5  }
0xaa: {  	[dreg:$0x4] =	wrdreg $0xC0  }
0xab: {  	_ =	task [dreg:s7], $0x5FFFF  }
0xac: {  	[dreg:$0x1] =	wrdreg $0xFFFFFFFF  }
0xad: {  	[dreg:$0x0] =	wrdreg $0x60  }
0xae: {  	[dreg:$0x2] =	wrdreg s2  }
0xaf: {  	[dreg:$0x3] =	wrdreg s24  }
0xb0: {  	[dreg:$0x4] =	wrdreg $0x0  }
0xb1: {  	[dreg:$0x5] =	wrdreg $0x9  }
0xb2: {  	_ =	task.clear_ibuf [dreg:s7], $0x6FFFF;
	_ =	strace $0x90000046  }
0xb3: {  	s29 =	simm.s32 $0x9;
	_ =	strace $0x80000048  }
0xb4: {  	_ =	swait.ge [sflag:s29], $0x1  }
0xb5: {  	[sflag:s29] =	ssyncadd.s32 $0xFFFFFFFF  }
0xb6: {  	_ =	strace $0x90000048  }
0xb7: {  	_ =	sfence  }
0xb8: {  	s30 =	sld [smem:$0x0];
	_ =	sdelay $0x2  }
0xb9: {  	s31 =	sshll.u32 s1, $0xD;
	s1 =	sshrl.u32 s1, $0x2  }
0xba: {  	s3 =	sand.u32 $0x4000, s31;
	s1 =	sadd.s32 s1, s30  }
0xbb: {  	s0 =	sor.u32 s3, s0;
	s1 =	sshll.u32 s1, $0x11  }
0xbc: {  	s0 =	sor.u32 s1, s0  }
0xbd: {  	s0 =	sadd.s32 $0x8F2B, s0  }
0xbe: {  	[sflag:s0] =	ssyncadd.remote.s32 $0x1  }
0xbf: {  	_ =	sfence.sel $0xFFFF  }
0xc0: {  	[dreg:$0x0] =	wrdreg $0xFFFFFFFF;
	(pc) =	sbr.abs _section_cstart, $3  }
0xc1: {  	[dreg:$0x1] =	wrdreg $0xFFFFFFFF  }
0xc2: {  	_ =	task.clear_ibuf [dreg:s7], $0x2FFFF;
	_ =	strace $0x9FFFFFFF  }
0xc3: {  	(tm) =	ssettm $0x7FFFFFFF  }
tec
execute0_lowered:
.L_overlay_start_1:
0x0: {  	(tag) =	ssettag $0x1  }
0x1: {  	s6 =	rddreg [dreg:$0x0]  }
0x2: {  	s7 =	rddreg [dreg:$0x1]  }
0x3: {  	s2 =	rddreg [dreg:$0x2]  }
0x4: {  	s0 =	rddreg [dreg:$0x3]  }
0x5: {  	s4 =	srdreg.scid;
	s1 =	stileid.u32  }
0x6: {  	s3 =	simm.s32 $0x0;
	s14 =	simm.s32 $0x7D;
	s15 =	simm.s32 $0x2880  }
0x7: {  	s16 =	simm.s32 $0x2900;
	s17 =	simm.s32 $0x2980;
	s18 =	simm.s32 $0x1  }
0x8: {  	s19 =	simm.s32 $0x0;
	s5 =	sand.u32 $0x1, s4;
	s8 =	smul.u32 $0x2800, s1  }
0x9: {  	[smem:$0x7FF] =	sst s3;
	s10 =	sshll.u32 s1, $0x1;
	s4 =	sadd.s32 $0x2C00, s7  }
0xa: {  	s31 =	sshll.u32 s1, $0x6;
	s9 =	smul.u32 $0x28000, s5;
	_ =	strace $0x80000047  }
0xb: {  	s10 =	sor.u32 s5, s10;
	s11 =	ssub.s32 $0x2, s5;
	s5 =	sadd.s32 $0x2A00, s7  }
0xc: {  	s10 =	smul.u32 $0x500, s10;
	s12 =	sshrl.u32 s11, $0x1;
	s13 =	sadd.s32 s8, s2  }
0xd: {  	s9 =	sadd.s32 s8, s9;
	s30 =	ssub.s32 s11, s12;
	s11 =	simm.s32 $0x5000  }
0xe: {  	s12 =	sor.u32 $0x1C02, s31;
	s13 =	sshrl.u32 s13, $0x3;
	s9 =	sshrl.u32 s9, $0x3  }
0xf: {  	s6 =	sadd.s32 s6, s10;
	s8 =	smax.u32 s30, $0x1;
	s7 =	sadd.s32 s9, s7  }
0x10: {  	s10 =	simm.s32 $0x2;
	s9 =	simm.s32 $0x2800;
	s7 =	sadd.s32 $0x3200, s7  }
.LBB2_1:
0x11: {  	[tilespmem:s9], [sflag:$0x2] =	stream.linear.gather [hbm4b:s6+s3], $0x2800, $0x38;
	[tilespmem:$0x57D0] =	vst v63  }
0x12: {  	_ =	swait.ge [sflag:s10], $0x2800  }
0x13: {  	[sflag:s10] =	ssyncset.done $0x0  }
0x14: {  	[sflag:s10] =	ssyncadd.s32 $0xFFFFD800  }
0x15: {  	[tilespmem:s11], [sflag:$0x2] =	stream.linear.gather [hbm4b:s5+s3], $0x7D0, $0x38;
	[tilespmem:$0x57D0] =	vst v63  }
0x16: {  	_ =	swait.ge [sflag:s10], $0x7D0  }
0x17: {  	[sflag:s10] =	ssyncset.done $0x0  }
0x18: {  	[sflag:s10] =	ssyncadd.s32 $0xFFFFF830  }
0x19: {  	[spmem:s13], [sflag:s12] =	dma.local [hbm:s4], $0x500  }
0x1a: {  	_ =	swait.ge [sflag:s10], $0x500  }
0x1b: {  	[sflag:s10] =	ssyncset.done $0x0  }
0x1c: {  	[sflag:s10] =	ssyncadd.s32 $0xFFFFFB00  }
0x1d: {  	[bflag:$0x0] =	sbarrier.arrive $0xFFFF  }
0x1e: {  	[spmem:s2] =	stream.indirect.scatter.add.f32 [tilespmem:s11], [sflag:$0x1], $0x10, s9, s14, $0xb8;
	[tilespmem:$0x57D0] =	vst v63  }
0x1f: {  	_ = 	snop  }
0x20: {  	[spmem:s2] =	stream.indirect.scatter.add.f32 [tilespmem:s11], [sflag:$0x1], $0x10, s15, s14, $0xb8;
	[tilespmem:$0x57D0] =	vst v63  }
0x21: {  	_ = 	snop  }
0x22: {  	[spmem:s2] =	stream.indirect.scatter.add.f32 [tilespmem:s11], [sflag:$0x1], $0x10, s16, s14, $0xb8;
	[tilespmem:$0x57D0] =	vst v63  }
0x23: {  	_ = 	snop  }
0x24: {  	[spmem:s2] =	stream.indirect.scatter.add.f32 [tilespmem:s11], [sflag:$0x1], $0x10, s17, s14, $0xb8;
	[tilespmem:$0x57D0] =	vst v63  }
0x25: {  	s20 =	simm.s32 $0x2A00  }
0x26: {  	[spmem:s2] =	stream.indirect.scatter.add.f32 [tilespmem:s11], [sflag:$0x1], $0x10, s20, s14, $0xb8;
	[tilespmem:$0x57D0] =	vst v63  }
0x27: {  	s20 =	simm.s32 $0xA00;
	_ =	swait.ge [sflag:s18], $0x7D0  }
.LBB2_2:
0x28: {  	s21 =	sshra.s32 s20, $0x2;
	[sflag:s18] =	ssyncset.done $0x0;
	p0 =	sne.s32 s20, $0x9E00  }
.Ltmp0:
0x29: {  	s21 =	sadd.s32 $0x2800, s21;
	[sflag:s18] =	ssyncadd.s32 $0xFFFFF830;
	(pc) =	sbr.rel @p0 .LBB2_2-.Ltmp0, $3  }
0x2a: {  	[spmem:s2] =	stream.indirect.scatter.add.f32 [tilespmem:s11], [sflag:$0x1], $0x10, s21, s14, $0xb8;
	[tilespmem:$0x57D0] =	vst v63  }
0x2b: {  	s20 =	sadd.s32 $0x200, s20;
	_ =	sdelay $0x1  }
0x2c: {  	_ =	swait.ge [sflag:s18], $0x7D0  }
0x2d: {  	[sflag:s18] =	ssyncset.done $0x0  }
0x2e: {  	[sflag:s18] =	ssyncadd.s32 $0xFFFFF830  }
0x2f: {  	_ =	swait.ge [sflag:s18], $0x7D0  }
0x30: {  	[sflag:s18] =	ssyncset.done $0x0  }
0x31: {  	[sflag:s18] =	ssyncadd.s32 $0xFFFFF830  }
0x32: {  	_ =	swait.ge [sflag:s18], $0x7D0  }
0x33: {  	[sflag:s18] =	ssyncset.done $0x0  }
0x34: {  	[sflag:s18] =	ssyncadd.s32 $0xFFFFF830  }
0x35: {  	_ =	swait.ge [sflag:s18], $0x7D0  }
0x36: {  	[sflag:s18] =	ssyncset.done $0x0  }
0x37: {  	[sflag:s18] =	ssyncadd.s32 $0xFFFFF830  }
0x38: {  	_ =	swait.ge [sflag:s18], $0x7D0  }
0x39: {  	s19 =	sadd.s32 $0x1, s19;
	[sflag:s18] =	ssyncset.done $0x0  }
0x3a: {  	p0 =	sne.s32 s19, s8;
	[sflag:s18] =	ssyncadd.s32 $0xFFFFF830  }
.Ltmp1:
0x3b: {  	[bflag:$0x0] =	sbarrier.arrive $0xFFFF;
	(pc) =	sbr.rel @p0 .LBB2_1-.Ltmp1, $4  }
0x3c: {  	[hbm:s7], [sflag:s12] =	dma.local [spmem:s13], $0x500  }
0x3d: {  	_ =	swait.ge [sflag:s10], $0x500  }
0x3e: {  	[sflag:s10] =	ssyncset.done $0x0  }
0x3f: {  	[sflag:s10] =	ssyncadd.s32 $0xFFFFFB00  }
0x40: {  	_ =	sfence.sel $0x180000  }
0x41: {  	[bflag:$0x0] =	sbarrier.arrive $0xFFFF  }
0x42: {  	p0 =	sne.s32 s1, $0x0;
	_ =	strace $0x90000047  }
0x43: {  	s0 =	sadd.s32 @!p0 $0x100000, s0;
	[bflag:$0x2] =	sbarrier.arrive $0xFFFF  }
0x44: {  	[sflag:s0] =	ssyncadd.tile.s32 @!p0 $0x1;
	_ =	shalt  }
.Lfunc_end2:
_tile_overlayer_lowered:
.L_overlay_start_2:
0x45: {  	(tag) =	ssettag $0x2  }
0x46: {  	s0 =	rddreg [dreg:$0x0];
	s2 =	stileid.u32  }
0x47: {  	s1 =	rddreg [dreg:$0x1];
	p0 =	sne.s32 s2, $0x0  }
0x48: {  	s3 =	rddreg [dreg:$0x2];
	[bflag:$0x3] =	sbarrier.arrive $0xFFFF;
	s2 =	simm.s32 @!p0 $0x1C02  }
0x49: {  	[timem:s3], [sflag:s2] =	dma.local @!p0 [hbm:s0], s1  }
0x4a: {  	s0 =	simm.s32 @!p0 $0x2  }
0x4b: {  	_ =	swait.ge @!p0 [sflag:s0], s1  }
0x4c: {  	s1 =	ssub.s32 @!p0 $0x0, s1;
	[sflag:s0] =	ssyncset.done @!p0 $0x0  }
0x4d: {  	[sflag:s0] =	ssyncadd.s32 @!p0 s1  }
0x4e: {  	[bflag:$0x3] =	sbarrier.arrive $0xFFFF  }
0x4f: {  	_ =	shalt  }

</sc_bundles>
